<compile_context>
chip_gen: v7x
topology: tpu7x:2x2x1
jax: 0.10.2.dev20260603
libtpu: 0.0.44.dev20260713+nightly
codegen_flags: <defaults>
</compile_context>

<pallas_src>
import functools

import jax
import jax.numpy as jnp
from jax import lax
from jax.experimental import pallas as pl
from jax.experimental.pallas import tpu as pltpu
from jax.experimental.pallas import tpu_sc as plsc

_NC = 2
_NS = 16
_NW = _NC * _NS
_L = 16
_D = 128


def _table_kernel(w_ref, kind_ref, strpc_ref, feat_ref, bias_ref, tab_ref):
    w = w_ref[:]
    norms = jnp.sqrt(jnp.sum(w * w, axis=1, keepdims=True))
    scale = jnp.where(norms > 1.0, 1.0 / (norms + 1e-7), jnp.ones_like(norms))
    wr = w * scale
    wr32 = jnp.concatenate([wr, jnp.zeros((7, 32), jnp.float32)], axis=0)

    featT = feat_ref[:]
    c_row = bias_ref[:]
    for k in range(6):
        c_row = c_row + lax.dot_general(
            kind_ref[k:k + 1, :], featT[32 * k:32 * (k + 1), :],
            (((1,), (0,)), ((), ())), preferred_element_type=jnp.float32)
    v_row = lax.dot_general(
        strpc_ref[:], featT[0:32, :], (((1,), (0,)), ((), ())),
        preferred_element_type=jnp.float32)
    v_row = v_row * (1.0 / 99.0)

    row_ids = lax.broadcasted_iota(jnp.int32, (32, 128), 0)
    for k in range(6):
        blkT = featT[32 * k:32 * (k + 1), :]
        tk = lax.dot_general(wr32, blkT, (((1,), (0,)), ((), ())),
                             preferred_element_type=jnp.float32)
        if k == 0:
            tk = jnp.where(row_ids < 25, tk + c_row, tk)
            tk = jnp.where(row_ids == 25, v_row, tk)
        tab_ref[32 * k:32 * (k + 1), :] = tk


def _build_table(stat_weight, kind_weight, strpc_weight, feat_weight, feat_bias):
    return pl.pallas_call(
        _table_kernel,
        out_shape=jax.ShapeDtypeStruct((192, 128), jnp.float32),
    )(stat_weight, kind_weight, strpc_weight.T, feat_weight.T, feat_bias)


def _make_sc_lookup(B):
    assert B % (8 * _NW) == 0
    b_per_w = B // _NW
    mesh = plsc.VectorSubcoreMesh(core_axis_name="c", subcore_axis_name="s",
                                  num_cores=_NC, num_subcores=_NS)

    @functools.partial(
        pl.kernel,
        out_type=jax.ShapeDtypeStruct((B * _D,), jnp.float32),
        mesh=mesh,
        compiler_params=pltpu.CompilerParams(needs_layout_passes=False),
        scratch_types=[
            pltpu.VMEM((192 * _D,), jnp.float32),
            pltpu.VMEM((b_per_w * _D,), jnp.float32),
            pltpu.VMEM((6, b_per_w), jnp.int32),
            pltpu.VMEM((b_per_w,), jnp.float32),
            pltpu.SemaphoreType.DMA,
            pltpu.SemaphoreType.DMA,
        ],
    )
    def sc_lookup(tab_hbm, i0, i1, i2, i3, i4, i5, sp_hbm, out_hbm,
                  tab_v, out_v, idx_s, sp_s, in_sem, out_sem):
        wid = lax.axis_index("s") * _NC + lax.axis_index("c")
        base = wid * b_per_w
        descs = [pltpu.async_copy(tab_hbm, tab_v, in_sem)]
        for k, ik in enumerate((i0, i1, i2, i3, i4, i5)):
            descs.append(pltpu.async_copy(ik.at[pl.ds(base, b_per_w)],
                                          idx_s.at[k], in_sem))
        descs.append(pltpu.async_copy(sp_hbm.at[pl.ds(base, b_per_w)],
                                      sp_s, in_sem))
        for d in descs:
            d.wait()

        vregs = [tab_v[pl.ds(25 * _D + 16 * j, _L)] for j in range(8)]

        @plsc.parallel_loop(0, b_per_w // _L)
        def grp_body(gi):
            goff = gi * _L
            ivecs = [(idx_s[k, pl.ds(goff, _L)] + 32 * k) * _D
                     for k in range(6)]
            spvec = sp_s[pl.ds(goff, _L)]

            @plsc.parallel_loop(0, _L, unroll=2)
            def lane_body(l):
                lsplat = jnp.broadcast_to(l, (_L,)).astype(jnp.int32)
                spb = spvec.at[lsplat].get(mode="promise_in_bounds")
                accs = [spb * vregs[j] for j in range(8)]
                for k in range(6):
                    rbase = ivecs[k].at[lsplat].get(
                        mode="promise_in_bounds")[0]
                    for j in range(8):
                        accs[j] = accs[j] + tab_v[pl.ds(rbase + 16 * j, _L)]
                obase = (goff + l) * _D
                for j in range(8):
                    out_v[pl.ds(obase + 16 * j, _L)] = accs[j]

            pltpu.async_copy(out_v.at[pl.ds(goff * _D, _L * _D)],
                             out_hbm.at[pl.ds((base + goff) * _D, _L * _D)],
                             out_sem)

        pltpu.make_async_copy(
            out_v, out_hbm.at[pl.ds(base * _D, b_per_w * _D)], out_sem).wait()

    return sc_lookup


def kernel(str, dex, con, int, wis, cha, strength_percentage,
           stat_weight, kind_weight, strpc_weight, feat_weight, feat_bias):
    B = str.shape[0]
    tab = _build_table(stat_weight, kind_weight, strpc_weight, feat_weight,
                       feat_bias)
    flat = _make_sc_lookup(B)(tab.reshape(-1), str, dex, con, int, wis, cha,
                              strength_percentage)
    return flat.reshape(B, _D)

# --- scband reference (transcript-rebuilt; emitter-appended) ---
"""Pipeline reference for scband-blstats-build-embedding-23235773071455 (READ-ONLY COPY).

The authoritative reference and input builder live on the scoring server;
editing this copy changes nothing except your own understanding.
"""

import jax, jax.numpy as jnp
import numpy as np

B = 16384

def setup_inputs(seed: int = 0):
    key = jax.random.key(seed)
    ks = jax.random.split(key, 12)
    d = {}
    for i, name in enumerate(["str", "dex", "con", "int", "wis", "cha"]):
        d[name] = jax.random.randint(ks[i], (B,), 0, 25, dtype=jnp.int32)
    d["strength_percentage"] = jax.random.uniform(ks[6], (B,), dtype=jnp.float32) * 99.0
    # learned parameters
    d["stat_weight"] = jax.random.normal(ks[7], (25, 32), dtype=jnp.float32)
    d["kind_weight"] = jax.random.normal(ks[8], (6, 32), dtype=jnp.float32)
    d["strpc_weight"] = jax.random.normal(ks[9], (32, 1), dtype=jnp.float32) * 0.1
    d["feat_weight"] = jax.random.normal(ks[10], (128, 32 * 6), dtype=jnp.float32) * 0.05
    d["feat_bias"] = jnp.zeros((128,), dtype=jnp.float32)
    return d


def _renorm_max_norm(w, max_norm=1.0, eps=1e-7):
    # torch Embedding(max_norm=1.0, norm_type=2): rows with L2 norm > max_norm are
    # rescaled in-place (no grad through the scale factor).
    norms = jnp.linalg.norm(w, ord=2, axis=1, keepdims=True)
    scale = jnp.where(norms > max_norm, max_norm / (norms + eps), jnp.ones_like(norms))
    return w * jax.lax.stop_gradient(scale)


def reference(str, dex, con, int, wis, cha, strength_percentage,
              stat_weight, kind_weight, strpc_weight, feat_weight, feat_bias):
    w = _renorm_max_norm(stat_weight)
    out = jnp.stack(
        [jnp.take(w, str, axis=0),
         jnp.take(w, dex, axis=0),
         jnp.take(w, con, axis=0),
         jnp.take(w, int, axis=0),
         jnp.take(w, wis, axis=0),
         jnp.take(w, cha, axis=0)], axis=-2) + kind_weight  # [B, 6, 32]
    strpc = (strength_percentage / 99.0)[..., None]          # [B, 1]
    proj = strpc @ strpc_weight.T                             # [B, 32] (Linear(1,32,bias=False))
    out = out.at[..., 0, :].add(proj)
    flat = out.reshape(out.shape[:-2] + (6 * 32,))            # [B, 192]
    return flat @ feat_weight.T + feat_bias                   # [B, 128]

if __name__ == "__main__":
    import jax
    _d = setup_inputs()
    print(jax.jit(kernel)(*tuple(_d.values())))

</pallas_src>

<mosaic_0001>
#map = affine_map<(d0, d1) -> (0)>
module attributes {stable_mosaic.version = 14 : i64} {
  func.func @sc_lookup(%arg0: i32, %arg1: i32, %arg2: memref<24576xf32, #tpu.memory_space<hbm>>, %arg3: memref<16384xi32, #tpu.memory_space<hbm>>, %arg4: memref<16384xi32, #tpu.memory_space<hbm>>, %arg5: memref<16384xi32, #tpu.memory_space<hbm>>, %arg6: memref<16384xi32, #tpu.memory_space<hbm>>, %arg7: memref<16384xi32, #tpu.memory_space<hbm>>, %arg8: memref<16384xi32, #tpu.memory_space<hbm>>, %arg9: memref<16384xf32, #tpu.memory_space<hbm>>, %arg10: memref<2097152xf32, #tpu.memory_space<hbm>>, %arg11: memref<24576xf32, #tpu.memory_space<vmem>>, %arg12: memref<65536xf32, #tpu.memory_space<vmem>>, %arg13: memref<6x512xi32, #tpu.memory_space<vmem>>, %arg14: memref<512xf32, #tpu.memory_space<vmem>>, %arg15: memref<!tpu.dma_semaphore, #tpu.memory_space<semaphore_mem>>, %arg16: memref<!tpu.dma_semaphore, #tpu.memory_space<semaphore_mem>>) attributes {dimension_semantics = [#tpu.dimension_semantics<core_parallel>, #tpu.dimension_semantics<subcore_parallel>], iteration_bounds = array<i64: 2, 16>, scalar_prefetch = 0 : i64, scratch_operands = 6 : i64, tpu.core_type = #tpu.core_type<sc_vector_subcore>, window_params = [{transform_indices = #map}, {transform_indices = #map}, {transform_indices = #map}, {transform_indices = #map}, {transform_indices = #map}, {transform_indices = #map}, {transform_indices = #map}, {transform_indices = #map}, {transform_indices = #map}]} {
    %mul3A = arith.constant 2 : i32
    %mul3A_0 = arith.muli %arg1, %mul3A : i32
    %add3A = arith.addi %mul3A_0, %arg0 : i32
    %mul3A_1 = arith.constant 512 : i32
    %mul3A_2 = arith.muli %add3A, %mul3A_1 : i32
    tpu.enqueue_dma source(%arg2 : memref<24576xf32, #tpu.memory_space<hbm>>) target(%arg11 : memref<24576xf32, #tpu.memory_space<vmem>>) target_semaphore(%arg15 : memref<!tpu.dma_semaphore, #tpu.memory_space<semaphore_mem>>)
    %dma_start3A = arith.constant 0 : i32
    %dma_start3A_3 = arith.constant 0 : i32
    %dma_start3A_4 = tpu.memref_slice %arg13[%dma_start3A, %dma_start3A_3] : memref<6x512xi32, #tpu.memory_space<vmem>> -> memref<1x512xi32, #tpu.memory_space<vmem>>
    %dma_start3A_5 = tpu.memref_squeeze %dma_start3A_4 : memref<1x512xi32, #tpu.memory_space<vmem>> -> memref<512xi32, #tpu.memory_space<vmem>>
    %dma_start3A_6 = tpu.memref_slice %arg3[%mul3A_2] : memref<16384xi32, #tpu.memory_space<hbm>> -> memref<512xi32, #tpu.memory_space<hbm>>
    %dma_start3A_7 = arith.constant 0 : i32
    %dma_start3A_8 = tpu.memref_slice %arg13[%dma_start3A, %dma_start3A_7] : memref<6x512xi32, #tpu.memory_space<vmem>> -> memref<1x512xi32, #tpu.memory_space<vmem>>
    %dma_start3A_9 = tpu.memref_squeeze %dma_start3A_8 : memref<1x512xi32, #tpu.memory_space<vmem>> -> memref<512xi32, #tpu.memory_space<vmem>>
    %dma_start3A_10 = tpu.memref_slice %arg3[%mul3A_2] : memref<16384xi32, #tpu.memory_space<hbm>> -> memref<512xi32, #tpu.memory_space<hbm>>
    tpu.enqueue_dma source(%dma_start3A_10 : memref<512xi32, #tpu.memory_space<hbm>>) target(%dma_start3A_9 : memref<512xi32, #tpu.memory_space<vmem>>) target_semaphore(%arg15 : memref<!tpu.dma_semaphore, #tpu.memory_space<semaphore_mem>>)
    %dma_start3A_11 = arith.constant 1 : i32
    %dma_start3A_12 = arith.constant 0 : i32
    %dma_start3A_13 = tpu.memref_slice %arg13[%dma_start3A_11, %dma_start3A_12] : memref<6x512xi32, #tpu.memory_space<vmem>> -> memref<1x512xi32, #tpu.memory_space<vmem>>
    %dma_start3A_14 = tpu.memref_squeeze %dma_start3A_13 : memref<1x512xi32, #tpu.memory_space<vmem>> -> memref<512xi32, #tpu.memory_space<vmem>>
    %dma_start3A_15 = tpu.memref_slice %arg4[%mul3A_2] : memref<16384xi32, #tpu.memory_space<hbm>> -> memref<512xi32, #tpu.memory_space<hbm>>
    %dma_start3A_16 = arith.constant 0 : i32
    %dma_start3A_17 = tpu.memref_slice %arg13[%dma_start3A_11, %dma_start3A_16] : memref<6x512xi32, #tpu.memory_space<vmem>> -> memref<1x512xi32, #tpu.memory_space<vmem>>
    %dma_start3A_18 = tpu.memref_squeeze %dma_start3A_17 : memref<1x512xi32, #tpu.memory_space<vmem>> -> memref<512xi32, #tpu.memory_space<vmem>>
    %dma_start3A_19 = tpu.memref_slice %arg4[%mul3A_2] : memref<16384xi32, #tpu.memory_space<hbm>> -> memref<512xi32, #tpu.memory_space<hbm>>
    tpu.enqueue_dma source(%dma_start3A_19 : memref<512xi32, #tpu.memory_space<hbm>>) target(%dma_start3A_18 : memref<512xi32, #tpu.memory_space<vmem>>) target_semaphore(%arg15 : memref<!tpu.dma_semaphore, #tpu.memory_space<semaphore_mem>>)
    %dma_start3A_20 = arith.constant 2 : i32
    %dma_start3A_21 = arith.constant 0 : i32
    %dma_start3A_22 = tpu.memref_slice %arg13[%dma_start3A_20, %dma_start3A_21] : memref<6x512xi32, #tpu.memory_space<vmem>> -> memref<1x512xi32, #tpu.memory_space<vmem>>
    %dma_start3A_23 = tpu.memref_squeeze %dma_start3A_22 : memref<1x512xi32, #tpu.memory_space<vmem>> -> memref<512xi32, #tpu.memory_space<vmem>>
    %dma_start3A_24 = tpu.memref_slice %arg5[%mul3A_2] : memref<16384xi32, #tpu.memory_space<hbm>> -> memref<512xi32, #tpu.memory_space<hbm>>
    %dma_start3A_25 = arith.constant 0 : i32
    %dma_start3A_26 = tpu.memref_slice %arg13[%dma_start3A_20, %dma_start3A_25] : memref<6x512xi32, #tpu.memory_space<vmem>> -> memref<1x512xi32, #tpu.memory_space<vmem>>
    %dma_start3A_27 = tpu.memref_squeeze %dma_start3A_26 : memref<1x512xi32, #tpu.memory_space<vmem>> -> memref<512xi32, #tpu.memory_space<vmem>>
    %dma_start3A_28 = tpu.memref_slice %arg5[%mul3A_2] : memref<16384xi32, #tpu.memory_space<hbm>> -> memref<512xi32, #tpu.memory_space<hbm>>
    tpu.enqueue_dma source(%dma_start3A_28 : memref<512xi32, #tpu.memory_space<hbm>>) target(%dma_start3A_27 : memref<512xi32, #tpu.memory_space<vmem>>) target_semaphore(%arg15 : memref<!tpu.dma_semaphore, #tpu.memory_space<semaphore_mem>>)
    %dma_start3A_29 = arith.constant 3 : i32
    %dma_start3A_30 = arith.constant 0 : i32
    %dma_start3A_31 = tpu.memref_slice %arg13[%dma_start3A_29, %dma_start3A_30] : memref<6x512xi32, #tpu.memory_space<vmem>> -> memref<1x512xi32, #tpu.memory_space<vmem>>
    %dma_start3A_32 = tpu.memref_squeeze %dma_start3A_31 : memref<1x512xi32, #tpu.memory_space<vmem>> -> memref<512xi32, #tpu.memory_space<vmem>>
    %dma_start3A_33 = tpu.memref_slice %arg6[%mul3A_2] : memref<16384xi32, #tpu.memory_space<hbm>> -> memref<512xi32, #tpu.memory_space<hbm>>
    %dma_start3A_34 = arith.constant 0 : i32
    %dma_start3A_35 = tpu.memref_slice %arg13[%dma_start3A_29, %dma_start3A_34] : memref<6x512xi32, #tpu.memory_space<vmem>> -> memref<1x512xi32, #tpu.memory_space<vmem>>
    %dma_start3A_36 = tpu.memref_squeeze %dma_start3A_35 : memref<1x512xi32, #tpu.memory_space<vmem>> -> memref<512xi32, #tpu.memory_space<vmem>>
    %dma_start3A_37 = tpu.memref_slice %arg6[%mul3A_2] : memref<16384xi32, #tpu.memory_space<hbm>> -> memref<512xi32, #tpu.memory_space<hbm>>
    tpu.enqueue_dma source(%dma_start3A_37 : memref<512xi32, #tpu.memory_space<hbm>>) target(%dma_start3A_36 : memref<512xi32, #tpu.memory_space<vmem>>) target_semaphore(%arg15 : memref<!tpu.dma_semaphore, #tpu.memory_space<semaphore_mem>>)
    %dma_start3A_38 = arith.constant 4 : i32
    %dma_start3A_39 = arith.constant 0 : i32
    %dma_start3A_40 = tpu.memref_slice %arg13[%dma_start3A_38, %dma_start3A_39] : memref<6x512xi32, #tpu.memory_space<vmem>> -> memref<1x512xi32, #tpu.memory_space<vmem>>
    %dma_start3A_41 = tpu.memref_squeeze %dma_start3A_40 : memref<1x512xi32, #tpu.memory_space<vmem>> -> memref<512xi32, #tpu.memory_space<vmem>>
    %dma_start3A_42 = tpu.memref_slice %arg7[%mul3A_2] : memref<16384xi32, #tpu.memory_space<hbm>> -> memref<512xi32, #tpu.memory_space<hbm>>
    %dma_start3A_43 = arith.constant 0 : i32
    %dma_start3A_44 = tpu.memref_slice %arg13[%dma_start3A_38, %dma_start3A_43] : memref<6x512xi32, #tpu.memory_space<vmem>> -> memref<1x512xi32, #tpu.memory_space<vmem>>
    %dma_start3A_45 = tpu.memref_squeeze %dma_start3A_44 : memref<1x512xi32, #tpu.memory_space<vmem>> -> memref<512xi32, #tpu.memory_space<vmem>>
    %dma_start3A_46 = tpu.memref_slice %arg7[%mul3A_2] : memref<16384xi32, #tpu.memory_space<hbm>> -> memref<512xi32, #tpu.memory_space<hbm>>
    tpu.enqueue_dma source(%dma_start3A_46 : memref<512xi32, #tpu.memory_space<hbm>>) target(%dma_start3A_45 : memref<512xi32, #tpu.memory_space<vmem>>) target_semaphore(%arg15 : memref<!tpu.dma_semaphore, #tpu.memory_space<semaphore_mem>>)
    %dma_start3A_47 = arith.constant 5 : i32
    %dma_start3A_48 = arith.constant 0 : i32
    %dma_start3A_49 = tpu.memref_slice %arg13[%dma_start3A_47, %dma_start3A_48] : memref<6x512xi32, #tpu.memory_space<vmem>> -> memref<1x512xi32, #tpu.memory_space<vmem>>
    %dma_start3A_50 = tpu.memref_squeeze %dma_start3A_49 : memref<1x512xi32, #tpu.memory_space<vmem>> -> memref<512xi32, #tpu.memory_space<vmem>>
    %dma_start3A_51 = tpu.memref_slice %arg8[%mul3A_2] : memref<16384xi32, #tpu.memory_space<hbm>> -> memref<512xi32, #tpu.memory_space<hbm>>
    %dma_start3A_52 = arith.constant 0 : i32
    %dma_start3A_53 = tpu.memref_slice %arg13[%dma_start3A_47, %dma_start3A_52] : memref<6x512xi32, #tpu.memory_space<vmem>> -> memref<1x512xi32, #tpu.memory_space<vmem>>
    %dma_start3A_54 = tpu.memref_squeeze %dma_start3A_53 : memref<1x512xi32, #tpu.memory_space<vmem>> -> memref<512xi32, #tpu.memory_space<vmem>>
    %dma_start3A_55 = tpu.memref_slice %arg8[%mul3A_2] : memref<16384xi32, #tpu.memory_space<hbm>> -> memref<512xi32, #tpu.memory_space<hbm>>
    tpu.enqueue_dma source(%dma_start3A_55 : memref<512xi32, #tpu.memory_space<hbm>>) target(%dma_start3A_54 : memref<512xi32, #tpu.memory_space<vmem>>) target_semaphore(%arg15 : memref<!tpu.dma_semaphore, #tpu.memory_space<semaphore_mem>>)
    %dma_start3A_56 = tpu.memref_slice %arg9[%mul3A_2] : memref<16384xf32, #tpu.memory_space<hbm>> -> memref<512xf32, #tpu.memory_space<hbm>>
    %dma_start3A_57 = tpu.memref_slice %arg9[%mul3A_2] : memref<16384xf32, #tpu.memory_space<hbm>> -> memref<512xf32, #tpu.memory_space<hbm>>
    tpu.enqueue_dma source(%dma_start3A_57 : memref<512xf32, #tpu.memory_space<hbm>>) target(%arg14 : memref<512xf32, #tpu.memory_space<vmem>>) target_semaphore(%arg15 : memref<!tpu.dma_semaphore, #tpu.memory_space<semaphore_mem>>)
    tpu.wait_dma2 semaphore(%arg15 : memref<!tpu.dma_semaphore, #tpu.memory_space<semaphore_mem>>) src(%arg2 : memref<24576xf32, #tpu.memory_space<hbm>>) dst(%arg11 : memref<24576xf32, #tpu.memory_space<vmem>>)
    %dma_wait3A = arith.constant 0 : i32
    %dma_wait3A_58 = arith.constant 0 : i32
    %dma_wait3A_59 = tpu.memref_slice %arg13[%dma_wait3A, %dma_wait3A_58] : memref<6x512xi32, #tpu.memory_space<vmem>> -> memref<1x512xi32, #tpu.memory_space<vmem>>
    %dma_wait3A_60 = tpu.memref_squeeze %dma_wait3A_59 : memref<1x512xi32, #tpu.memory_space<vmem>> -> memref<512xi32, #tpu.memory_space<vmem>>
    %dma_wait3A_61 = tpu.memref_slice %arg3[%mul3A_2] : memref<16384xi32, #tpu.memory_space<hbm>> -> memref<512xi32, #tpu.memory_space<hbm>>
    %dma_wait3A_62 = arith.constant 0 : i32
    %dma_wait3A_63 = tpu.memref_slice %arg13[%dma_wait3A, %dma_wait3A_62] : memref<6x512xi32, #tpu.memory_space<vmem>> -> memref<1x512xi32, #tpu.memory_space<vmem>>
    %dma_wait3A_64 = tpu.memref_squeeze %dma_wait3A_63 : memref<1x512xi32, #tpu.memory_space<vmem>> -> memref<512xi32, #tpu.memory_space<vmem>>
    %dma_wait3A_65 = tpu.memref_slice %arg3[%mul3A_2] : memref<16384xi32, #tpu.memory_space<hbm>> -> memref<512xi32, #tpu.memory_space<hbm>>
    tpu.wait_dma2 semaphore(%arg15 : memref<!tpu.dma_semaphore, #tpu.memory_space<semaphore_mem>>) src(%dma_wait3A_65 : memref<512xi32, #tpu.memory_space<hbm>>) dst(%dma_wait3A_64 : memref<512xi32, #tpu.memory_space<vmem>>)
    %dma_wait3A_66 = arith.constant 1 : i32
    %dma_wait3A_67 = arith.constant 0 : i32
    %dma_wait3A_68 = tpu.memref_slice %arg13[%dma_wait3A_66, %dma_wait3A_67] : memref<6x512xi32, #tpu.memory_space<vmem>> -> memref<1x512xi32, #tpu.memory_space<vmem>>
    %dma_wait3A_69 = tpu.memref_squeeze %dma_wait3A_68 : memref<1x512xi32, #tpu.memory_space<vmem>> -> memref<512xi32, #tpu.memory_space<vmem>>
    %dma_wait3A_70 = tpu.memref_slice %arg4[%mul3A_2] : memref<16384xi32, #tpu.memory_space<hbm>> -> memref<512xi32, #tpu.memory_space<hbm>>
    %dma_wait3A_71 = arith.constant 0 : i32
    %dma_wait3A_72 = tpu.memref_slice %arg13[%dma_wait3A_66, %dma_wait3A_71] : memref<6x512xi32, #tpu.memory_space<vmem>> -> memref<1x512xi32, #tpu.memory_space<vmem>>
    %dma_wait3A_73 = tpu.memref_squeeze %dma_wait3A_72 : memref<1x512xi32, #tpu.memory_space<vmem>> -> memref<512xi32, #tpu.memory_space<vmem>>
    %dma_wait3A_74 = tpu.memref_slice %arg4[%mul3A_2] : memref<16384xi32, #tpu.memory_space<hbm>> -> memref<512xi32, #tpu.memory_space<hbm>>
    tpu.wait_dma2 semaphore(%arg15 : memref<!tpu.dma_semaphore, #tpu.memory_space<semaphore_mem>>) src(%dma_wait3A_74 : memref<512xi32, #tpu.memory_space<hbm>>) dst(%dma_wait3A_73 : memref<512xi32, #tpu.memory_space<vmem>>)
    %dma_wait3A_75 = arith.constant 2 : i32
    %dma_wait3A_76 = arith.constant 0 : i32
    %dma_wait3A_77 = tpu.memref_slice %arg13[%dma_wait3A_75, %dma_wait3A_76] : memref<6x512xi32, #tpu.memory_space<vmem>> -> memref<1x512xi32, #tpu.memory_space<vmem>>
    %dma_wait3A_78 = tpu.memref_squeeze %dma_wait3A_77 : memref<1x512xi32, #tpu.memory_space<vmem>> -> memref<512xi32, #tpu.memory_space<vmem>>
    %dma_wait3A_79 = tpu.memref_slice %arg5[%mul3A_2] : memref<16384xi32, #tpu.memory_space<hbm>> -> memref<512xi32, #tpu.memory_space<hbm>>
    %dma_wait3A_80 = arith.constant 0 : i32
    %dma_wait3A_81 = tpu.memref_slice %arg13[%dma_wait3A_75, %dma_wait3A_80] : memref<6x512xi32, #tpu.memory_space<vmem>> -> memref<1x512xi32, #tpu.memory_space<vmem>>
    %dma_wait3A_82 = tpu.memref_squeeze %dma_wait3A_81 : memref<1x512xi32, #tpu.memory_space<vmem>> -> memref<512xi32, #tpu.memory_space<vmem>>
    %dma_wait3A_83 = tpu.memref_slice %arg5[%mul3A_2] : memref<16384xi32, #tpu.memory_space<hbm>> -> memref<512xi32, #tpu.memory_space<hbm>>
    tpu.wait_dma2 semaphore(%arg15 : memref<!tpu.dma_semaphore, #tpu.memory_space<semaphore_mem>>) src(%dma_wait3A_83 : memref<512xi32, #tpu.memory_space<hbm>>) dst(%dma_wait3A_82 : memref<512xi32, #tpu.memory_space<vmem>>)
    %dma_wait3A_84 = arith.constant 3 : i32
    %dma_wait3A_85 = arith.constant 0 : i32
    %dma_wait3A_86 = tpu.memref_slice %arg13[%dma_wait3A_84, %dma_wait3A_85] : memref<6x512xi32, #tpu.memory_space<vmem>> -> memref<1x512xi32, #tpu.memory_space<vmem>>
    %dma_wait3A_87 = tpu.memref_squeeze %dma_wait3A_86 : memref<1x512xi32, #tpu.memory_space<vmem>> -> memref<512xi32, #tpu.memory_space<vmem>>
    %dma_wait3A_88 = tpu.memref_slice %arg6[%mul3A_2] : memref<16384xi32, #tpu.memory_space<hbm>> -> memref<512xi32, #tpu.memory_space<hbm>>
    %dma_wait3A_89 = arith.constant 0 : i32
    %dma_wait3A_90 = tpu.memref_slice %arg13[%dma_wait3A_84, %dma_wait3A_89] : memref<6x512xi32, #tpu.memory_space<vmem>> -> memref<1x512xi32, #tpu.memory_space<vmem>>
    %dma_wait3A_91 = tpu.memref_squeeze %dma_wait3A_90 : memref<1x512xi32, #tpu.memory_space<vmem>> -> memref<512xi32, #tpu.memory_space<vmem>>
    %dma_wait3A_92 = tpu.memref_slice %arg6[%mul3A_2] : memref<16384xi32, #tpu.memory_space<hbm>> -> memref<512xi32, #tpu.memory_space<hbm>>
    tpu.wait_dma2 semaphore(%arg15 : memref<!tpu.dma_semaphore, #tpu.memory_space<semaphore_mem>>) src(%dma_wait3A_92 : memref<512xi32, #tpu.memory_space<hbm>>) dst(%dma_wait3A_91 : memref<512xi32, #tpu.memory_space<vmem>>)
    %dma_wait3A_93 = arith.constant 4 : i32
    %dma_wait3A_94 = arith.constant 0 : i32
    %dma_wait3A_95 = tpu.memref_slice %arg13[%dma_wait3A_93, %dma_wait3A_94] : memref<6x512xi32, #tpu.memory_space<vmem>> -> memref<1x512xi32, #tpu.memory_space<vmem>>
    %dma_wait3A_96 = tpu.memref_squeeze %dma_wait3A_95 : memref<1x512xi32, #tpu.memory_space<vmem>> -> memref<512xi32, #tpu.memory_space<vmem>>
    %dma_wait3A_97 = tpu.memref_slice %arg7[%mul3A_2] : memref<16384xi32, #tpu.memory_space<hbm>> -> memref<512xi32, #tpu.memory_space<hbm>>
    %dma_wait3A_98 = arith.constant 0 : i32
    %dma_wait3A_99 = tpu.memref_slice %arg13[%dma_wait3A_93, %dma_wait3A_98] : memref<6x512xi32, #tpu.memory_space<vmem>> -> memref<1x512xi32, #tpu.memory_space<vmem>>
    %dma_wait3A_100 = tpu.memref_squeeze %dma_wait3A_99 : memref<1x512xi32, #tpu.memory_space<vmem>> -> memref<512xi32, #tpu.memory_space<vmem>>
    %dma_wait3A_101 = tpu.memref_slice %arg7[%mul3A_2] : memref<16384xi32, #tpu.memory_space<hbm>> -> memref<512xi32, #tpu.memory_space<hbm>>
    tpu.wait_dma2 semaphore(%arg15 : memref<!tpu.dma_semaphore, #tpu.memory_space<semaphore_mem>>) src(%dma_wait3A_101 : memref<512xi32, #tpu.memory_space<hbm>>) dst(%dma_wait3A_100 : memref<512xi32, #tpu.memory_space<vmem>>)
    %dma_wait3A_102 = arith.constant 5 : i32
    %dma_wait3A_103 = arith.constant 0 : i32
    %dma_wait3A_104 = tpu.memref_slice %arg13[%dma_wait3A_102, %dma_wait3A_103] : memref<6x512xi32, #tpu.memory_space<vmem>> -> memref<1x512xi32, #tpu.memory_space<vmem>>
    %dma_wait3A_105 = tpu.memref_squeeze %dma_wait3A_104 : memref<1x512xi32, #tpu.memory_space<vmem>> -> memref<512xi32, #tpu.memory_space<vmem>>
    %dma_wait3A_106 = tpu.memref_slice %arg8[%mul3A_2] : memref<16384xi32, #tpu.memory_space<hbm>> -> memref<512xi32, #tpu.memory_space<hbm>>
    %dma_wait3A_107 = arith.constant 0 : i32
    %dma_wait3A_108 = tpu.memref_slice %arg13[%dma_wait3A_102, %dma_wait3A_107] : memref<6x512xi32, #tpu.memory_space<vmem>> -> memref<1x512xi32, #tpu.memory_space<vmem>>
    %dma_wait3A_109 = tpu.memref_squeeze %dma_wait3A_108 : memref<1x512xi32, #tpu.memory_space<vmem>> -> memref<512xi32, #tpu.memory_space<vmem>>
    %dma_wait3A_110 = tpu.memref_slice %arg8[%mul3A_2] : memref<16384xi32, #tpu.memory_space<hbm>> -> memref<512xi32, #tpu.memory_space<hbm>>
    tpu.wait_dma2 semaphore(%arg15 : memref<!tpu.dma_semaphore, #tpu.memory_space<semaphore_mem>>) src(%dma_wait3A_110 : memref<512xi32, #tpu.memory_space<hbm>>) dst(%dma_wait3A_109 : memref<512xi32, #tpu.memory_space<vmem>>)
    %dma_wait3A_111 = tpu.memref_slice %arg9[%mul3A_2] : memref<16384xf32, #tpu.memory_space<hbm>> -> memref<512xf32, #tpu.memory_space<hbm>>
    %dma_wait3A_112 = tpu.memref_slice %arg9[%mul3A_2] : memref<16384xf32, #tpu.memory_space<hbm>> -> memref<512xf32, #tpu.memory_space<hbm>>
    tpu.wait_dma2 semaphore(%arg15 : memref<!tpu.dma_semaphore, #tpu.memory_space<semaphore_mem>>) src(%dma_wait3A_112 : memref<512xf32, #tpu.memory_space<hbm>>) dst(%arg14 : memref<512xf32, #tpu.memory_space<vmem>>)
    %get3A = arith.constant 3200 : index
    %get3A_113 = tpu.vector_load %arg11[%get3A] {strides = array<i32>} : memref<24576xf32, #tpu.memory_space<vmem>>, vector<16xf32>,
    %get3A_114 = arith.constant 3216 : index
    %get3A_115 = tpu.vector_load %arg11[%get3A_114] {strides = array<i32>} : memref<24576xf32, #tpu.memory_space<vmem>>, vector<16xf32>,
    %get3A_116 = arith.constant 3232 : index
    %get3A_117 = tpu.vector_load %arg11[%get3A_116] {strides = array<i32>} : memref<24576xf32, #tpu.memory_space<vmem>>, vector<16xf32>,
    %get3A_118 = arith.constant 3248 : index
    %get3A_119 = tpu.vector_load %arg11[%get3A_118] {strides = array<i32>} : memref<24576xf32, #tpu.memory_space<vmem>>, vector<16xf32>,
    %get3A_120 = arith.constant 3264 : index
    %get3A_121 = tpu.vector_load %arg11[%get3A_120] {strides = array<i32>} : memref<24576xf32, #tpu.memory_space<vmem>>, vector<16xf32>,
    %get3A_122 = arith.constant 3280 : index
    %get3A_123 = tpu.vector_load %arg11[%get3A_122] {strides = array<i32>} : memref<24576xf32, #tpu.memory_space<vmem>>, vector<16xf32>,
    %get3A_124 = arith.constant 3296 : index
    %get3A_125 = tpu.vector_load %arg11[%get3A_124] {strides = array<i32>} : memref<24576xf32, #tpu.memory_space<vmem>>, vector<16xf32>,
    %get3A_126 = arith.constant 3312 : index
    %get3A_127 = tpu.vector_load %arg11[%get3A_126] {strides = array<i32>} : memref<24576xf32, #tpu.memory_space<vmem>>, vector<16xf32>,
    %parallel_loop3A = arith.constant 0 : i32
    %parallel_loop3A_128 = arith.constant 32 : i32
    %parallel_loop3A_129 = arith.constant 1 : i32
    scf.for %parallel_loop3A_134 = %parallel_loop3A to %parallel_loop3A_128 step %parallel_loop3A_129  : i32 {
      %parallel_loop3A_135 = arith.constant 16 : i32
      %parallel_loop3A_136 = arith.muli %parallel_loop3A_134, %parallel_loop3A_135 : i32
      %parallel_loop3A_137 = arith.constant 0 : i32
      %parallel_loop3A_138 = arith.index_cast %parallel_loop3A_137 : i32 to index
      %parallel_loop3A_139 = arith.index_cast %parallel_loop3A_136 : i32 to index
      %parallel_loop3A_140 = tpu.vector_load %arg13[%parallel_loop3A_138, %parallel_loop3A_139] {strides = array<i32>} : memref<6x512xi32, #tpu.memory_space<vmem>>, vector<16xi32>,
      %parallel_loop3A_141 = arith.constant 0 : i32
      %parallel_loop3A_142 = vector.broadcast %parallel_loop3A_141 : i32 to vector<16xi32>
      %parallel_loop3A_143 = arith.addi %parallel_loop3A_140, %parallel_loop3A_142 : vector<16xi32>
      %parallel_loop3A_144 = arith.constant 128 : i32
      %parallel_loop3A_145 = vector.broadcast %parallel_loop3A_144 : i32 to vector<16xi32>
      %parallel_loop3A_146 = arith.muli %parallel_loop3A_143, %parallel_loop3A_145 : vector<16xi32>
      %parallel_loop3A_147 = arith.constant 1 : i32
      %parallel_loop3A_148 = arith.index_cast %parallel_loop3A_147 : i32 to index
      %parallel_loop3A_149 = arith.index_cast %parallel_loop3A_136 : i32 to index
      %parallel_loop3A_150 = tpu.vector_load %arg13[%parallel_loop3A_148, %parallel_loop3A_149] {strides = array<i32>} : memref<6x512xi32, #tpu.memory_space<vmem>>, vector<16xi32>,
      %parallel_loop3A_151 = arith.constant 32 : i32
      %parallel_loop3A_152 = vector.broadcast %parallel_loop3A_151 : i32 to vector<16xi32>
      %parallel_loop3A_153 = arith.addi %parallel_loop3A_150, %parallel_loop3A_152 : vector<16xi32>
      %parallel_loop3A_154 = arith.constant 128 : i32
      %parallel_loop3A_155 = vector.broadcast %parallel_loop3A_154 : i32 to vector<16xi32>
      %parallel_loop3A_156 = arith.muli %parallel_loop3A_153, %parallel_loop3A_155 : vector<16xi32>
      %parallel_loop3A_157 = arith.constant 2 : i32
      %parallel_loop3A_158 = arith.index_cast %parallel_loop3A_157 : i32 to index
      %parallel_loop3A_159 = arith.index_cast %parallel_loop3A_136 : i32 to index
      %parallel_loop3A_160 = tpu.vector_load %arg13[%parallel_loop3A_158, %parallel_loop3A_159] {strides = array<i32>} : memref<6x512xi32, #tpu.memory_space<vmem>>, vector<16xi32>,
      %parallel_loop3A_161 = arith.constant 64 : i32
      %parallel_loop3A_162 = vector.broadcast %parallel_loop3A_161 : i32 to vector<16xi32>
      %parallel_loop3A_163 = arith.addi %parallel_loop3A_160, %parallel_loop3A_162 : vector<16xi32>
      %parallel_loop3A_164 = arith.constant 128 : i32
      %parallel_loop3A_165 = vector.broadcast %parallel_loop3A_164 : i32 to vector<16xi32>
      %parallel_loop3A_166 = arith.muli %parallel_loop3A_163, %parallel_loop3A_165 : vector<16xi32>
      %parallel_loop3A_167 = arith.constant 3 : i32
      %parallel_loop3A_168 = arith.index_cast %parallel_loop3A_167 : i32 to index
      %parallel_loop3A_169 = arith.index_cast %parallel_loop3A_136 : i32 to index
      %parallel_loop3A_170 = tpu.vector_load %arg13[%parallel_loop3A_168, %parallel_loop3A_169] {strides = array<i32>} : memref<6x512xi32, #tpu.memory_space<vmem>>, vector<16xi32>,
      %parallel_loop3A_171 = arith.constant 96 : i32
      %parallel_loop3A_172 = vector.broadcast %parallel_loop3A_171 : i32 to vector<16xi32>
      %parallel_loop3A_173 = arith.addi %parallel_loop3A_170, %parallel_loop3A_172 : vector<16xi32>
      %parallel_loop3A_174 = arith.constant 128 : i32
      %parallel_loop3A_175 = vector.broadcast %parallel_loop3A_174 : i32 to vector<16xi32>
      %parallel_loop3A_176 = arith.muli %parallel_loop3A_173, %parallel_loop3A_175 : vector<16xi32>
      %parallel_loop3A_177 = arith.constant 4 : i32
      %parallel_loop3A_178 = arith.index_cast %parallel_loop3A_177 : i32 to index
      %parallel_loop3A_179 = arith.index_cast %parallel_loop3A_136 : i32 to index
      %parallel_loop3A_180 = tpu.vector_load %arg13[%parallel_loop3A_178, %parallel_loop3A_179] {strides = array<i32>} : memref<6x512xi32, #tpu.memory_space<vmem>>, vector<16xi32>,
      %parallel_loop3A_181 = arith.constant 128 : i32
      %parallel_loop3A_182 = vector.broadcast %parallel_loop3A_181 : i32 to vector<16xi32>
      %parallel_loop3A_183 = arith.addi %parallel_loop3A_180, %parallel_loop3A_182 : vector<16xi32>
      %parallel_loop3A_184 = arith.constant 128 : i32
      %parallel_loop3A_185 = vector.broadcast %parallel_loop3A_184 : i32 to vector<16xi32>
      %parallel_loop3A_186 = arith.muli %parallel_loop3A_183, %parallel_loop3A_185 : vector<16xi32>
      %parallel_loop3A_187 = arith.constant 5 : i32
      %parallel_loop3A_188 = arith.index_cast %parallel_loop3A_187 : i32 to index
      %parallel_loop3A_189 = arith.index_cast %parallel_loop3A_136 : i32 to index
      %parallel_loop3A_190 = tpu.vector_load %arg13[%parallel_loop3A_188, %parallel_loop3A_189] {strides = array<i32>} : memref<6x512xi32, #tpu.memory_space<vmem>>, vector<16xi32>,
      %parallel_loop3A_191 = arith.constant 160 : i32
      %parallel_loop3A_192 = vector.broadcast %parallel_loop3A_191 : i32 to vector<16xi32>
      %parallel_loop3A_193 = arith.addi %parallel_loop3A_190, %parallel_loop3A_192 : vector<16xi32>
      %parallel_loop3A_194 = arith.constant 128 : i32
      %parallel_loop3A_195 = vector.broadcast %parallel_loop3A_194 : i32 to vector<16xi32>
      %parallel_loop3A_196 = arith.muli %parallel_loop3A_193, %parallel_loop3A_195 : vector<16xi32>
      %parallel_loop3A_197 = arith.index_cast %parallel_loop3A_136 : i32 to index
      %parallel_loop3A_198 = tpu.vector_load %arg14[%parallel_loop3A_197] {strides = array<i32>} : memref<512xf32, #tpu.memory_space<vmem>>, vector<16xf32>,
      %parallel_loop3A_199 = arith.constant 0 : i32
      %parallel_loop3A_200 = arith.constant 16 : i32
      %parallel_loop3A_201 = arith.constant 1 : i32
      scf.for %parallel_loop3A_211 = %parallel_loop3A_199 to %parallel_loop3A_200 step %parallel_loop3A_201  : i32 {
        %parallel_loop3A_212 = vector.broadcast %parallel_loop3A_211 : i32 to vector<16xi32>
        %parallel_loop3A_213 = arith.constant 0 : i32
        %parallel_loop3A_214 = vector.broadcast %parallel_loop3A_213 : i32 to vector<16xi32>
        %parallel_loop3A_215 = arith.cmpi slt, %parallel_loop3A_212, %parallel_loop3A_214 : vector<16xi32>
        %parallel_loop3A_216 = arith.constant 16 : i32
        %parallel_loop3A_217 = vector.broadcast %parallel_loop3A_216 : i32 to vector<16xi32>
        %parallel_loop3A_218 = arith.addi %parallel_loop3A_212, %parallel_loop3A_217 : vector<16xi32>
        %parallel_loop3A_219 = arith.select %parallel_loop3A_215, %parallel_loop3A_218, %parallel_loop3A_212 : vector<16xi1>, vector<16xi32>
        %parallel_loop3A_220 = vector.shape_cast %parallel_loop3A_219 : vector<16xi32> to vector<16x1xi32>
        %parallel_loop3A_221 = vector.shape_cast %parallel_loop3A_220 : vector<16x1xi32> to vector<16xi32>
        %parallel_loop3A_222 = tpu.dynamic_gather %parallel_loop3A_198[%parallel_loop3A_221] in [0] : vector<16xf32>, vector<16xi32> -> vector<16xf32>
        %parallel_loop3A_223 = arith.mulf %parallel_loop3A_222, %get3A_113 : vector<16xf32>
        %parallel_loop3A_224 = arith.mulf %parallel_loop3A_222, %get3A_115 : vector<16xf32>
        %parallel_loop3A_225 = arith.mulf %parallel_loop3A_222, %get3A_117 : vector<16xf32>
        %parallel_loop3A_226 = arith.mulf %parallel_loop3A_222, %get3A_119 : vector<16xf32>
        %parallel_loop3A_227 = arith.mulf %parallel_loop3A_222, %get3A_121 : vector<16xf32>
        %parallel_loop3A_228 = arith.mulf %parallel_loop3A_222, %get3A_123 : vector<16xf32>
        %parallel_loop3A_229 = arith.mulf %parallel_loop3A_222, %get3A_125 : vector<16xf32>
        %parallel_loop3A_230 = arith.mulf %parallel_loop3A_222, %get3A_127 : vector<16xf32>
        %parallel_loop3A_231 = arith.constant 0 : i32
        %parallel_loop3A_232 = vector.broadcast %parallel_loop3A_231 : i32 to vector<16xi32>
        %parallel_loop3A_233 = arith.cmpi slt, %parallel_loop3A_212, %parallel_loop3A_232 : vector<16xi32>
        %parallel_loop3A_234 = arith.constant 16 : i32
        %parallel_loop3A_235 = vector.broadcast %parallel_loop3A_234 : i32 to vector<16xi32>
        %parallel_loop3A_236 = arith.addi %parallel_loop3A_212, %parallel_loop3A_235 : vector<16xi32>
        %parallel_loop3A_237 = arith.select %parallel_loop3A_233, %parallel_loop3A_236, %parallel_loop3A_212 : vector<16xi1>, vector<16xi32>
        %parallel_loop3A_238 = vector.shape_cast %parallel_loop3A_237 : vector<16xi32> to vector<16x1xi32>
        %parallel_loop3A_239 = vector.shape_cast %parallel_loop3A_238 : vector<16x1xi32> to vector<16xi32>
        %parallel_loop3A_240 = tpu.dynamic_gather %parallel_loop3A_146[%parallel_loop3A_239] in [0] : vector<16xi32>, vector<16xi32> -> vector<16xi32>
        %parallel_loop3A_241 = vector.extract_strided_slice %parallel_loop3A_240 {offsets = [0], sizes = [1], strides = [1]} : vector<16xi32> to vector<1xi32>
        %parallel_loop3A_242 = vector.extract %parallel_loop3A_241[0] : i32 from vector<1xi32>
        %parallel_loop3A_243 = arith.constant 0 : i32
        %parallel_loop3A_244 = arith.addi %parallel_loop3A_242, %parallel_loop3A_243 : i32
        %parallel_loop3A_245 = arith.index_cast %parallel_loop3A_244 : i32 to index
        %parallel_loop3A_246 = tpu.vector_load %arg11[%parallel_loop3A_245] {strides = array<i32>} : memref<24576xf32, #tpu.memory_space<vmem>>, vector<16xf32>,
        %parallel_loop3A_247 = arith.addf %parallel_loop3A_223, %parallel_loop3A_246 : vector<16xf32>
        %parallel_loop3A_248 = arith.constant 16 : i32
        %parallel_loop3A_249 = arith.addi %parallel_loop3A_242, %parallel_loop3A_248 : i32
        %parallel_loop3A_250 = arith.index_cast %parallel_loop3A_249 : i32 to index
        %parallel_loop3A_251 = tpu.vector_load %arg11[%parallel_loop3A_250] {strides = array<i32>} : memref<24576xf32, #tpu.memory_space<vmem>>, vector<16xf32>,
        %parallel_loop3A_252 = arith.addf %parallel_loop3A_224, %parallel_loop3A_251 : vector<16xf32>
        %parallel_loop3A_253 = arith.constant 32 : i32
        %parallel_loop3A_254 = arith.addi %parallel_loop3A_242, %parallel_loop3A_253 : i32
        %parallel_loop3A_255 = arith.index_cast %parallel_loop3A_254 : i32 to index
        %parallel_loop3A_256 = tpu.vector_load %arg11[%parallel_loop3A_255] {strides = array<i32>} : memref<24576xf32, #tpu.memory_space<vmem>>, vector<16xf32>,
        %parallel_loop3A_257 = arith.addf %parallel_loop3A_225, %parallel_loop3A_256 : vector<16xf32>
        %parallel_loop3A_258 = arith.constant 48 : i32
        %parallel_loop3A_259 = arith.addi %parallel_loop3A_242, %parallel_loop3A_258 : i32
        %parallel_loop3A_260 = arith.index_cast %parallel_loop3A_259 : i32 to index
        %parallel_loop3A_261 = tpu.vector_load %arg11[%parallel_loop3A_260] {strides = array<i32>} : memref<24576xf32, #tpu.memory_space<vmem>>, vector<16xf32>,
        %parallel_loop3A_262 = arith.addf %parallel_loop3A_226, %parallel_loop3A_261 : vector<16xf32>
        %parallel_loop3A_263 = arith.constant 64 : i32
        %parallel_loop3A_264 = arith.addi %parallel_loop3A_242, %parallel_loop3A_263 : i32
        %parallel_loop3A_265 = arith.index_cast %parallel_loop3A_264 : i32 to index
        %parallel_loop3A_266 = tpu.vector_load %arg11[%parallel_loop3A_265] {strides = array<i32>} : memref<24576xf32, #tpu.memory_space<vmem>>, vector<16xf32>,
        %parallel_loop3A_267 = arith.addf %parallel_loop3A_227, %parallel_loop3A_266 : vector<16xf32>
        %parallel_loop3A_268 = arith.constant 80 : i32
        %parallel_loop3A_269 = arith.addi %parallel_loop3A_242, %parallel_loop3A_268 : i32
        %parallel_loop3A_270 = arith.index_cast %parallel_loop3A_269 : i32 to index
        %parallel_loop3A_271 = tpu.vector_load %arg11[%parallel_loop3A_270] {strides = array<i32>} : memref<24576xf32, #tpu.memory_space<vmem>>, vector<16xf32>,
        %parallel_loop3A_272 = arith.addf %parallel_loop3A_228, %parallel_loop3A_271 : vector<16xf32>
        %parallel_loop3A_273 = arith.constant 96 : i32
        %parallel_loop3A_274 = arith.addi %parallel_loop3A_242, %parallel_loop3A_273 : i32
        %parallel_loop3A_275 = arith.index_cast %parallel_loop3A_274 : i32 to index
        %parallel_loop3A_276 = tpu.vector_load %arg11[%parallel_loop3A_275] {strides = array<i32>} : memref<24576xf32, #tpu.memory_space<vmem>>, vector<16xf32>,
        %parallel_loop3A_277 = arith.addf %parallel_loop3A_229, %parallel_loop3A_276 : vector<16xf32>
        %parallel_loop3A_278 = arith.constant 112 : i32
        %parallel_loop3A_279 = arith.addi %parallel_loop3A_242, %parallel_loop3A_278 : i32
        %parallel_loop3A_280 = arith.index_cast %parallel_loop3A_279 : i32 to index
        %parallel_loop3A_281 = tpu.vector_load %arg11[%parallel_loop3A_280] {strides = array<i32>} : memref<24576xf32, #tpu.memory_space<vmem>>, vector<16xf32>,
        %parallel_loop3A_282 = arith.addf %parallel_loop3A_230, %parallel_loop3A_281 : vector<16xf32>
        %parallel_loop3A_283 = arith.constant 0 : i32
        %parallel_loop3A_284 = vector.broadcast %parallel_loop3A_283 : i32 to vector<16xi32>
        %parallel_loop3A_285 = arith.cmpi slt, %parallel_loop3A_212, %parallel_loop3A_284 : vector<16xi32>
        %parallel_loop3A_286 = arith.constant 16 : i32
        %parallel_loop3A_287 = vector.broadcast %parallel_loop3A_286 : i32 to vector<16xi32>
        %parallel_loop3A_288 = arith.addi %parallel_loop3A_212, %parallel_loop3A_287 : vector<16xi32>
        %parallel_loop3A_289 = arith.select %parallel_loop3A_285, %parallel_loop3A_288, %parallel_loop3A_212 : vector<16xi1>, vector<16xi32>
        %parallel_loop3A_290 = vector.shape_cast %parallel_loop3A_289 : vector<16xi32> to vector<16x1xi32>
        %parallel_loop3A_291 = vector.shape_cast %parallel_loop3A_290 : vector<16x1xi32> to vector<16xi32>
        %parallel_loop3A_292 = tpu.dynamic_gather %parallel_loop3A_156[%parallel_loop3A_291] in [0] : vector<16xi32>, vector<16xi32> -> vector<16xi32>
        %parallel_loop3A_293 = vector.extract_strided_slice %parallel_loop3A_292 {offsets = [0], sizes = [1], strides = [1]} : vector<16xi32> to vector<1xi32>
        %parallel_loop3A_294 = vector.extract %parallel_loop3A_293[0] : i32 from vector<1xi32>
        %parallel_loop3A_295 = arith.constant 0 : i32
        %parallel_loop3A_296 = arith.addi %parallel_loop3A_294, %parallel_loop3A_295 : i32
        %parallel_loop3A_297 = arith.index_cast %parallel_loop3A_296 : i32 to index
        %parallel_loop3A_298 = tpu.vector_load %arg11[%parallel_loop3A_297] {strides = array<i32>} : memref<24576xf32, #tpu.memory_space<vmem>>, vector<16xf32>,
        %parallel_loop3A_299 = arith.addf %parallel_loop3A_247, %parallel_loop3A_298 : vector<16xf32>
        %parallel_loop3A_300 = arith.constant 16 : i32
        %parallel_loop3A_301 = arith.addi %parallel_loop3A_294, %parallel_loop3A_300 : i32
        %parallel_loop3A_302 = arith.index_cast %parallel_loop3A_301 : i32 to index
        %parallel_loop3A_303 = tpu.vector_load %arg11[%parallel_loop3A_302] {strides = array<i32>} : memref<24576xf32, #tpu.memory_space<vmem>>, vector<16xf32>,
        %parallel_loop3A_304 = arith.addf %parallel_loop3A_252, %parallel_loop3A_303 : vector<16xf32>
        %parallel_loop3A_305 = arith.constant 32 : i32
        %parallel_loop3A_306 = arith.addi %parallel_loop3A_294, %parallel_loop3A_305 : i32
        %parallel_loop3A_307 = arith.index_cast %parallel_loop3A_306 : i32 to index
        %parallel_loop3A_308 = tpu.vector_load %arg11[%parallel_loop3A_307] {strides = array<i32>} : memref<24576xf32, #tpu.memory_space<vmem>>, vector<16xf32>,
        %parallel_loop3A_309 = arith.addf %parallel_loop3A_257, %parallel_loop3A_308 : vector<16xf32>
        %parallel_loop3A_310 = arith.constant 48 : i32
        %parallel_loop3A_311 = arith.addi %parallel_loop3A_294, %parallel_loop3A_310 : i32
        %parallel_loop3A_312 = arith.index_cast %parallel_loop3A_311 : i32 to index
        %parallel_loop3A_313 = tpu.vector_load %arg11[%parallel_loop3A_312] {strides = array<i32>} : memref<24576xf32, #tpu.memory_space<vmem>>, vector<16xf32>,
        %parallel_loop3A_314 = arith.addf %parallel_loop3A_262, %parallel_loop3A_313 : vector<16xf32>
        %parallel_loop3A_315 = arith.constant 64 : i32
        %parallel_loop3A_316 = arith.addi %parallel_loop3A_294, %parallel_loop3A_315 : i32
        %parallel_loop3A_317 = arith.index_cast %parallel_loop3A_316 : i32 to index
        %parallel_loop3A_318 = tpu.vector_load %arg11[%parallel_loop3A_317] {strides = array<i32>} : memref<24576xf32, #tpu.memory_space<vmem>>, vector<16xf32>,
        %parallel_loop3A_319 = arith.addf %parallel_loop3A_267, %parallel_loop3A_318 : vector<16xf32>
        %parallel_loop3A_320 = arith.constant 80 : i32
        %parallel_loop3A_321 = arith.addi %parallel_loop3A_294, %parallel_loop3A_320 : i32
        %parallel_loop3A_322 = arith.index_cast %parallel_loop3A_321 : i32 to index
        %parallel_loop3A_323 = tpu.vector_load %arg11[%parallel_loop3A_322] {strides = array<i32>} : memref<24576xf32, #tpu.memory_space<vmem>>, vector<16xf32>,
        %parallel_loop3A_324 = arith.addf %parallel_loop3A_272, %parallel_loop3A_323 : vector<16xf32>
        %parallel_loop3A_325 = arith.constant 96 : i32
        %parallel_loop3A_326 = arith.addi %parallel_loop3A_294, %parallel_loop3A_325 : i32
        %parallel_loop3A_327 = arith.index_cast %parallel_loop3A_326 : i32 to index
        %parallel_loop3A_328 = tpu.vector_load %arg11[%parallel_loop3A_327] {strides = array<i32>} : memref<24576xf32, #tpu.memory_space<vmem>>, vector<16xf32>,
        %parallel_loop3A_329 = arith.addf %parallel_loop3A_277, %parallel_loop3A_328 : vector<16xf32>
        %parallel_loop3A_330 = arith.constant 112 : i32
        %parallel_loop3A_331 = arith.addi %parallel_loop3A_294, %parallel_loop3A_330 : i32
        %parallel_loop3A_332 = arith.index_cast %parallel_loop3A_331 : i32 to index
        %parallel_loop3A_333 = tpu.vector_load %arg11[%parallel_loop3A_332] {strides = array<i32>} : memref<24576xf32, #tpu.memory_space<vmem>>, vector<16xf32>,
        %parallel_loop3A_334 = arith.addf %parallel_loop3A_282, %parallel_loop3A_333 : vector<16xf32>
        %parallel_loop3A_335 = arith.constant 0 : i32
        %parallel_loop3A_336 = vector.broadcast %parallel_loop3A_335 : i32 to vector<16xi32>
        %parallel_loop3A_337 = arith.cmpi slt, %parallel_loop3A_212, %parallel_loop3A_336 : vector<16xi32>
        %parallel_loop3A_338 = arith.constant 16 : i32
        %parallel_loop3A_339 = vector.broadcast %parallel_loop3A_338 : i32 to vector<16xi32>
        %parallel_loop3A_340 = arith.addi %parallel_loop3A_212, %parallel_loop3A_339 : vector<16xi32>
        %parallel_loop3A_341 = arith.select %parallel_loop3A_337, %parallel_loop3A_340, %parallel_loop3A_212 : vector<16xi1>, vector<16xi32>
        %parallel_loop3A_342 = vector.shape_cast %parallel_loop3A_341 : vector<16xi32> to vector<16x1xi32>
        %parallel_loop3A_343 = vector.shape_cast %parallel_loop3A_342 : vector<16x1xi32> to vector<16xi32>
        %parallel_loop3A_344 = tpu.dynamic_gather %parallel_loop3A_166[%parallel_loop3A_343] in [0] : vector<16xi32>, vector<16xi32> -> vector<16xi32>
        %parallel_loop3A_345 = vector.extract_strided_slice %parallel_loop3A_344 {offsets = [0], sizes = [1], strides = [1]} : vector<16xi32> to vector<1xi32>
        %parallel_loop3A_346 = vector.extract %parallel_loop3A_345[0] : i32 from vector<1xi32>
        %parallel_loop3A_347 = arith.constant 0 : i32
        %parallel_loop3A_348 = arith.addi %parallel_loop3A_346, %parallel_loop3A_347 : i32
        %parallel_loop3A_349 = arith.index_cast %parallel_loop3A_348 : i32 to index
        %parallel_loop3A_350 = tpu.vector_load %arg11[%parallel_loop3A_349] {strides = array<i32>} : memref<24576xf32, #tpu.memory_space<vmem>>, vector<16xf32>,
        %parallel_loop3A_351 = arith.addf %parallel_loop3A_299, %parallel_loop3A_350 : vector<16xf32>
        %parallel_loop3A_352 = arith.constant 16 : i32
        %parallel_loop3A_353 = arith.addi %parallel_loop3A_346, %parallel_loop3A_352 : i32
        %parallel_loop3A_354 = arith.index_cast %parallel_loop3A_353 : i32 to index
        %parallel_loop3A_355 = tpu.vector_load %arg11[%parallel_loop3A_354] {strides = array<i32>} : memref<24576xf32, #tpu.memory_space<vmem>>, vector<16xf32>,
        %parallel_loop3A_356 = arith.addf %parallel_loop3A_304, %parallel_loop3A_355 : vector<16xf32>
        %parallel_loop3A_357 = arith.constant 32 : i32
        %parallel_loop3A_358 = arith.addi %parallel_loop3A_346, %parallel_loop3A_357 : i32
        %parallel_loop3A_359 = arith.index_cast %parallel_loop3A_358 : i32 to index
        %parallel_loop3A_360 = tpu.vector_load %arg11[%parallel_loop3A_359] {strides = array<i32>} : memref<24576xf32, #tpu.memory_space<vmem>>, vector<16xf32>,
        %parallel_loop3A_361 = arith.addf %parallel_loop3A_309, %parallel_loop3A_360 : vector<16xf32>
        %parallel_loop3A_362 = arith.constant 48 : i32
        %parallel_loop3A_363 = arith.addi %parallel_loop3A_346, %parallel_loop3A_362 : i32
        %parallel_loop3A_364 = arith.index_cast %parallel_loop3A_363 : i32 to index
        %parallel_loop3A_365 = tpu.vector_load %arg11[%parallel_loop3A_364] {strides = array<i32>} : memref<24576xf32, #tpu.memory_space<vmem>>, vector<16xf32>,
        %parallel_loop3A_366 = arith.addf %parallel_loop3A_314, %parallel_loop3A_365 : vector<16xf32>
        %parallel_loop3A_367 = arith.constant 64 : i32
        %parallel_loop3A_368 = arith.addi %parallel_loop3A_346, %parallel_loop3A_367 : i32
        %parallel_loop3A_369 = arith.index_cast %parallel_loop3A_368 : i32 to index
        %parallel_loop3A_370 = tpu.vector_load %arg11[%parallel_loop3A_369] {strides = array<i32>} : memref<24576xf32, #tpu.memory_space<vmem>>, vector<16xf32>,
        %parallel_loop3A_371 = arith.addf %parallel_loop3A_319, %parallel_loop3A_370 : vector<16xf32>
        %parallel_loop3A_372 = arith.constant 80 : i32
        %parallel_loop3A_373 = arith.addi %parallel_loop3A_346, %parallel_loop3A_372 : i32
        %parallel_loop3A_374 = arith.index_cast %parallel_loop3A_373 : i32 to index
        %parallel_loop3A_375 = tpu.vector_load %arg11[%parallel_loop3A_374] {strides = array<i32>} : memref<24576xf32, #tpu.memory_space<vmem>>, vector<16xf32>,
        %parallel_loop3A_376 = arith.addf %parallel_loop3A_324, %parallel_loop3A_375 : vector<16xf32>
        %parallel_loop3A_377 = arith.constant 96 : i32
        %parallel_loop3A_378 = arith.addi %parallel_loop3A_346, %parallel_loop3A_377 : i32
        %parallel_loop3A_379 = arith.index_cast %parallel_loop3A_378 : i32 to index
        %parallel_loop3A_380 = tpu.vector_load %arg11[%parallel_loop3A_379] {strides = array<i32>} : memref<24576xf32, #tpu.memory_space<vmem>>, vector<16xf32>,
        %parallel_loop3A_381 = arith.addf %parallel_loop3A_329, %parallel_loop3A_380 : vector<16xf32>
        %parallel_loop3A_382 = arith.constant 112 : i32
        %parallel_loop3A_383 = arith.addi %parallel_loop3A_346, %parallel_loop3A_382 : i32
        %parallel_loop3A_384 = arith.index_cast %parallel_loop3A_383 : i32 to index
        %parallel_loop3A_385 = tpu.vector_load %arg11[%parallel_loop3A_384] {strides = array<i32>} : memref<24576xf32, #tpu.memory_space<vmem>>, vector<16xf32>,
        %parallel_loop3A_386 = arith.addf %parallel_loop3A_334, %parallel_loop3A_385 : vector<16xf32>
        %parallel_loop3A_387 = arith.constant 0 : i32
        %parallel_loop3A_388 = vector.broadcast %parallel_loop3A_387 : i32 to vector<16xi32>
        %parallel_loop3A_389 = arith.cmpi slt, %parallel_loop3A_212, %parallel_loop3A_388 : vector<16xi32>
        %parallel_loop3A_390 = arith.constant 16 : i32
        %parallel_loop3A_391 = vector.broadcast %parallel_loop3A_390 : i32 to vector<16xi32>
        %parallel_loop3A_392 = arith.addi %parallel_loop3A_212, %parallel_loop3A_391 : vector<16xi32>
        %parallel_loop3A_393 = arith.select %parallel_loop3A_389, %parallel_loop3A_392, %parallel_loop3A_212 : vector<16xi1>, vector<16xi32>
        %parallel_loop3A_394 = vector.shape_cast %parallel_loop3A_393 : vector<16xi32> to vector<16x1xi32>
        %parallel_loop3A_395 = vector.shape_cast %parallel_loop3A_394 : vector<16x1xi32> to vector<16xi32>
        %parallel_loop3A_396 = tpu.dynamic_gather %parallel_loop3A_176[%parallel_loop3A_395] in [0] : vector<16xi32>, vector<16xi32> -> vector<16xi32>
        %parallel_loop3A_397 = vector.extract_strided_slice %parallel_loop3A_396 {offsets = [0], sizes = [1], strides = [1]} : vector<16xi32> to vector<1xi32>
        %parallel_loop3A_398 = vector.extract %parallel_loop3A_397[0] : i32 from vector<1xi32>
        %parallel_loop3A_399 = arith.constant 0 : i32
        %parallel_loop3A_400 = arith.addi %parallel_loop3A_398, %parallel_loop3A_399 : i32
        %parallel_loop3A_401 = arith.index_cast %parallel_loop3A_400 : i32 to index
        %parallel_loop3A_402 = tpu.vector_load %arg11[%parallel_loop3A_401] {strides = array<i32>} : memref<24576xf32, #tpu.memory_space<vmem>>, vector<16xf32>,
        %parallel_loop3A_403 = arith.addf %parallel_loop3A_351, %parallel_loop3A_402 : vector<16xf32>
        %parallel_loop3A_404 = arith.constant 16 : i32
        %parallel_loop3A_405 = arith.addi %parallel_loop3A_398, %parallel_loop3A_404 : i32
        %parallel_loop3A_406 = arith.index_cast %parallel_loop3A_405 : i32 to index
        %parallel_loop3A_407 = tpu.vector_load %arg11[%parallel_loop3A_406] {strides = array<i32>} : memref<24576xf32, #tpu.memory_space<vmem>>, vector<16xf32>,
        %parallel_loop3A_408 = arith.addf %parallel_loop3A_356, %parallel_loop3A_407 : vector<16xf32>
        %parallel_loop3A_409 = arith.constant 32 : i32
        %parallel_loop3A_410 = arith.addi %parallel_loop3A_398, %parallel_loop3A_409 : i32
        %parallel_loop3A_411 = arith.index_cast %parallel_loop3A_410 : i32 to index
        %parallel_loop3A_412 = tpu.vector_load %arg11[%parallel_loop3A_411] {strides = array<i32>} : memref<24576xf32, #tpu.memory_space<vmem>>, vector<16xf32>,
        %parallel_loop3A_413 = arith.addf %parallel_loop3A_361, %parallel_loop3A_412 : vector<16xf32>
        %parallel_loop3A_414 = arith.constant 48 : i32
        %parallel_loop3A_415 = arith.addi %parallel_loop3A_398, %parallel_loop3A_414 : i32
        %parallel_loop3A_416 = arith.index_cast %parallel_loop3A_415 : i32 to index
        %parallel_loop3A_417 = tpu.vector_load %arg11[%parallel_loop3A_416] {strides = array<i32>} : memref<24576xf32, #tpu.memory_space<vmem>>, vector<16xf32>,
        %parallel_loop3A_418 = arith.addf %parallel_loop3A_366, %parallel_loop3A_417 : vector<16xf32>
        %parallel_loop3A_419 = arith.constant 64 : i32
        %parallel_loop3A_420 = arith.addi %parallel_loop3A_398, %parallel_loop3A_419 : i32
        %parallel_loop3A_421 = arith.index_cast %parallel_loop3A_420 : i32 to index
        %parallel_loop3A_422 = tpu.vector_load %arg11[%parallel_loop3A_421] {strides = array<i32>} : memref<24576xf32, #tpu.memory_space<vmem>>, vector<16xf32>,
        %parallel_loop3A_423 = arith.addf %parallel_loop3A_371, %parallel_loop3A_422 : vector<16xf32>
        %parallel_loop3A_424 = arith.constant 80 : i32
        %parallel_loop3A_425 = arith.addi %parallel_loop3A_398, %parallel_loop3A_424 : i32
        %parallel_loop3A_426 = arith.index_cast %parallel_loop3A_425 : i32 to index
        %parallel_loop3A_427 = tpu.vector_load %arg11[%parallel_loop3A_426] {strides = array<i32>} : memref<24576xf32, #tpu.memory_space<vmem>>, vector<16xf32>,
        %parallel_loop3A_428 = arith.addf %parallel_loop3A_376, %parallel_loop3A_427 : vector<16xf32>
        %parallel_loop3A_429 = arith.constant 96 : i32
        %parallel_loop3A_430 = arith.addi %parallel_loop3A_398, %parallel_loop3A_429 : i32
        %parallel_loop3A_431 = arith.index_cast %parallel_loop3A_430 : i32 to index
        %parallel_loop3A_432 = tpu.vector_load %arg11[%parallel_loop3A_431] {strides = array<i32>} : memref<24576xf32, #tpu.memory_space<vmem>>, vector<16xf32>,
        %parallel_loop3A_433 = arith.addf %parallel_loop3A_381, %parallel_loop3A_432 : vector<16xf32>
        %parallel_loop3A_434 = arith.constant 112 : i32
        %parallel_loop3A_435 = arith.addi %parallel_loop3A_398, %parallel_loop3A_434 : i32
        %parallel_loop3A_436 = arith.index_cast %parallel_loop3A_435 : i32 to index
        %parallel_loop3A_437 = tpu.vector_load %arg11[%parallel_loop3A_436] {strides = array<i32>} : memref<24576xf32, #tpu.memory_space<vmem>>, vector<16xf32>,
        %parallel_loop3A_438 = arith.addf %parallel_loop3A_386, %parallel_loop3A_437 : vector<16xf32>
        %parallel_loop3A_439 = arith.constant 0 : i32
        %parallel_loop3A_440 = vector.broadcast %parallel_loop3A_439 : i32 to vector<16xi32>
        %parallel_loop3A_441 = arith.cmpi slt, %parallel_loop3A_212, %parallel_loop3A_440 : vector<16xi32>
        %parallel_loop3A_442 = arith.constant 16 : i32
        %parallel_loop3A_443 = vector.broadcast %parallel_loop3A_442 : i32 to vector<16xi32>
        %parallel_loop3A_444 = arith.addi %parallel_loop3A_212, %parallel_loop3A_443 : vector<16xi32>
        %parallel_loop3A_445 = arith.select %parallel_loop3A_441, %parallel_loop3A_444, %parallel_loop3A_212 : vector<16xi1>, vector<16xi32>
        %parallel_loop3A_446 = vector.shape_cast %parallel_loop3A_445 : vector<16xi32> to vector<16x1xi32>
        %parallel_loop3A_447 = vector.shape_cast %parallel_loop3A_446 : vector<16x1xi32> to vector<16xi32>
        %parallel_loop3A_448 = tpu.dynamic_gather %parallel_loop3A_186[%parallel_loop3A_447] in [0] : vector<16xi32>, vector<16xi32> -> vector<16xi32>
        %parallel_loop3A_449 = vector.extract_strided_slice %parallel_loop3A_448 {offsets = [0], sizes = [1], strides = [1]} : vector<16xi32> to vector<1xi32>
        %parallel_loop3A_450 = vector.extract %parallel_loop3A_449[0] : i32 from vector<1xi32>
        %parallel_loop3A_451 = arith.constant 0 : i32
        %parallel_loop3A_452 = arith.addi %parallel_loop3A_450, %parallel_loop3A_451 : i32
        %parallel_loop3A_453 = arith.index_cast %parallel_loop3A_452 : i32 to index
        %parallel_loop3A_454 = tpu.vector_load %arg11[%parallel_loop3A_453] {strides = array<i32>} : memref<24576xf32, #tpu.memory_space<vmem>>, vector<16xf32>,
        %parallel_loop3A_455 = arith.addf %parallel_loop3A_403, %parallel_loop3A_454 : vector<16xf32>
        %parallel_loop3A_456 = arith.constant 16 : i32
        %parallel_loop3A_457 = arith.addi %parallel_loop3A_450, %parallel_loop3A_456 : i32
        %parallel_loop3A_458 = arith.index_cast %parallel_loop3A_457 : i32 to index
        %parallel_loop3A_459 = tpu.vector_load %arg11[%parallel_loop3A_458] {strides = array<i32>} : memref<24576xf32, #tpu.memory_space<vmem>>, vector<16xf32>,
        %parallel_loop3A_460 = arith.addf %parallel_loop3A_408, %parallel_loop3A_459 : vector<16xf32>
        %parallel_loop3A_461 = arith.constant 32 : i32
        %parallel_loop3A_462 = arith.addi %parallel_loop3A_450, %parallel_loop3A_461 : i32
        %parallel_loop3A_463 = arith.index_cast %parallel_loop3A_462 : i32 to index
        %parallel_loop3A_464 = tpu.vector_load %arg11[%parallel_loop3A_463] {strides = array<i32>} : memref<24576xf32, #tpu.memory_space<vmem>>, vector<16xf32>,
        %parallel_loop3A_465 = arith.addf %parallel_loop3A_413, %parallel_loop3A_464 : vector<16xf32>
        %parallel_loop3A_466 = arith.constant 48 : i32
        %parallel_loop3A_467 = arith.addi %parallel_loop3A_450, %parallel_loop3A_466 : i32
        %parallel_loop3A_468 = arith.index_cast %parallel_loop3A_467 : i32 to index
        %parallel_loop3A_469 = tpu.vector_load %arg11[%parallel_loop3A_468] {strides = array<i32>} : memref<24576xf32, #tpu.memory_space<vmem>>, vector<16xf32>,
        %parallel_loop3A_470 = arith.addf %parallel_loop3A_418, %parallel_loop3A_469 : vector<16xf32>
        %parallel_loop3A_471 = arith.constant 64 : i32
        %parallel_loop3A_472 = arith.addi %parallel_loop3A_450, %parallel_loop3A_471 : i32
        %parallel_loop3A_473 = arith.index_cast %parallel_loop3A_472 : i32 to index
        %parallel_loop3A_474 = tpu.vector_load %arg11[%parallel_loop3A_473] {strides = array<i32>} : memref<24576xf32, #tpu.memory_space<vmem>>, vector<16xf32>,
        %parallel_loop3A_475 = arith.addf %parallel_loop3A_423, %parallel_loop3A_474 : vector<16xf32>
        %parallel_loop3A_476 = arith.constant 80 : i32
        %parallel_loop3A_477 = arith.addi %parallel_loop3A_450, %parallel_loop3A_476 : i32
        %parallel_loop3A_478 = arith.index_cast %parallel_loop3A_477 : i32 to index
        %parallel_loop3A_479 = tpu.vector_load %arg11[%parallel_loop3A_478] {strides = array<i32>} : memref<24576xf32, #tpu.memory_space<vmem>>, vector<16xf32>,
        %parallel_loop3A_480 = arith.addf %parallel_loop3A_428, %parallel_loop3A_479 : vector<16xf32>
        %parallel_loop3A_481 = arith.constant 96 : i32
        %parallel_loop3A_482 = arith.addi %parallel_loop3A_450, %parallel_loop3A_481 : i32
        %parallel_loop3A_483 = arith.index_cast %parallel_loop3A_482 : i32 to index
        %parallel_loop3A_484 = tpu.vector_load %arg11[%parallel_loop3A_483] {strides = array<i32>} : memref<24576xf32, #tpu.memory_space<vmem>>, vector<16xf32>,
        %parallel_loop3A_485 = arith.addf %parallel_loop3A_433, %parallel_loop3A_484 : vector<16xf32>
        %parallel_loop3A_486 = arith.constant 112 : i32
        %parallel_loop3A_487 = arith.addi %parallel_loop3A_450, %parallel_loop3A_486 : i32
        %parallel_loop3A_488 = arith.index_cast %parallel_loop3A_487 : i32 to index
        %parallel_loop3A_489 = tpu.vector_load %arg11[%parallel_loop3A_488] {strides = array<i32>} : memref<24576xf32, #tpu.memory_space<vmem>>, vector<16xf32>,
        %parallel_loop3A_490 = arith.addf %parallel_loop3A_438, %parallel_loop3A_489 : vector<16xf32>
        %parallel_loop3A_491 = arith.constant 0 : i32
        %parallel_loop3A_492 = vector.broadcast %parallel_loop3A_491 : i32 to vector<16xi32>
        %parallel_loop3A_493 = arith.cmpi slt, %parallel_loop3A_212, %parallel_loop3A_492 : vector<16xi32>
        %parallel_loop3A_494 = arith.constant 16 : i32
        %parallel_loop3A_495 = vector.broadcast %parallel_loop3A_494 : i32 to vector<16xi32>
        %parallel_loop3A_496 = arith.addi %parallel_loop3A_212, %parallel_loop3A_495 : vector<16xi32>
        %parallel_loop3A_497 = arith.select %parallel_loop3A_493, %parallel_loop3A_496, %parallel_loop3A_212 : vector<16xi1>, vector<16xi32>
        %parallel_loop3A_498 = vector.shape_cast %parallel_loop3A_497 : vector<16xi32> to vector<16x1xi32>
        %parallel_loop3A_499 = vector.shape_cast %parallel_loop3A_498 : vector<16x1xi32> to vector<16xi32>
        %parallel_loop3A_500 = tpu.dynamic_gather %parallel_loop3A_196[%parallel_loop3A_499] in [0] : vector<16xi32>, vector<16xi32> -> vector<16xi32>
        %parallel_loop3A_501 = vector.extract_strided_slice %parallel_loop3A_500 {offsets = [0], sizes = [1], strides = [1]} : vector<16xi32> to vector<1xi32>
        %parallel_loop3A_502 = vector.extract %parallel_loop3A_501[0] : i32 from vector<1xi32>
        %parallel_loop3A_503 = arith.constant 0 : i32
        %parallel_loop3A_504 = arith.addi %parallel_loop3A_502, %parallel_loop3A_503 : i32
        %parallel_loop3A_505 = arith.index_cast %parallel_loop3A_504 : i32 to index
        %parallel_loop3A_506 = tpu.vector_load %arg11[%parallel_loop3A_505] {strides = array<i32>} : memref<24576xf32, #tpu.memory_space<vmem>>, vector<16xf32>,
        %parallel_loop3A_507 = arith.addf %parallel_loop3A_455, %parallel_loop3A_506 : vector<16xf32>
        %parallel_loop3A_508 = arith.constant 16 : i32
        %parallel_loop3A_509 = arith.addi %parallel_loop3A_502, %parallel_loop3A_508 : i32
        %parallel_loop3A_510 = arith.index_cast %parallel_loop3A_509 : i32 to index
        %parallel_loop3A_511 = tpu.vector_load %arg11[%parallel_loop3A_510] {strides = array<i32>} : memref<24576xf32, #tpu.memory_space<vmem>>, vector<16xf32>,
        %parallel_loop3A_512 = arith.addf %parallel_loop3A_460, %parallel_loop3A_511 : vector<16xf32>
        %parallel_loop3A_513 = arith.constant 32 : i32
        %parallel_loop3A_514 = arith.addi %parallel_loop3A_502, %parallel_loop3A_513 : i32
        %parallel_loop3A_515 = arith.index_cast %parallel_loop3A_514 : i32 to index
        %parallel_loop3A_516 = tpu.vector_load %arg11[%parallel_loop3A_515] {strides = array<i32>} : memref<24576xf32, #tpu.memory_space<vmem>>, vector<16xf32>,
        %parallel_loop3A_517 = arith.addf %parallel_loop3A_465, %parallel_loop3A_516 : vector<16xf32>
        %parallel_loop3A_518 = arith.constant 48 : i32
        %parallel_loop3A_519 = arith.addi %parallel_loop3A_502, %parallel_loop3A_518 : i32
        %parallel_loop3A_520 = arith.index_cast %parallel_loop3A_519 : i32 to index
        %parallel_loop3A_521 = tpu.vector_load %arg11[%parallel_loop3A_520] {strides = array<i32>} : memref<24576xf32, #tpu.memory_space<vmem>>, vector<16xf32>,
        %parallel_loop3A_522 = arith.addf %parallel_loop3A_470, %parallel_loop3A_521 : vector<16xf32>
        %parallel_loop3A_523 = arith.constant 64 : i32
        %parallel_loop3A_524 = arith.addi %parallel_loop3A_502, %parallel_loop3A_523 : i32
        %parallel_loop3A_525 = arith.index_cast %parallel_loop3A_524 : i32 to index
        %parallel_loop3A_526 = tpu.vector_load %arg11[%parallel_loop3A_525] {strides = array<i32>} : memref<24576xf32, #tpu.memory_space<vmem>>, vector<16xf32>,
        %parallel_loop3A_527 = arith.addf %parallel_loop3A_475, %parallel_loop3A_526 : vector<16xf32>
        %parallel_loop3A_528 = arith.constant 80 : i32
        %parallel_loop3A_529 = arith.addi %parallel_loop3A_502, %parallel_loop3A_528 : i32
        %parallel_loop3A_530 = arith.index_cast %parallel_loop3A_529 : i32 to index
        %parallel_loop3A_531 = tpu.vector_load %arg11[%parallel_loop3A_530] {strides = array<i32>} : memref<24576xf32, #tpu.memory_space<vmem>>, vector<16xf32>,
        %parallel_loop3A_532 = arith.addf %parallel_loop3A_480, %parallel_loop3A_531 : vector<16xf32>
        %parallel_loop3A_533 = arith.constant 96 : i32
        %parallel_loop3A_534 = arith.addi %parallel_loop3A_502, %parallel_loop3A_533 : i32
        %parallel_loop3A_535 = arith.index_cast %parallel_loop3A_534 : i32 to index
        %parallel_loop3A_536 = tpu.vector_load %arg11[%parallel_loop3A_535] {strides = array<i32>} : memref<24576xf32, #tpu.memory_space<vmem>>, vector<16xf32>,
        %parallel_loop3A_537 = arith.addf %parallel_loop3A_485, %parallel_loop3A_536 : vector<16xf32>
        %parallel_loop3A_538 = arith.constant 112 : i32
        %parallel_loop3A_539 = arith.addi %parallel_loop3A_502, %parallel_loop3A_538 : i32
        %parallel_loop3A_540 = arith.index_cast %parallel_loop3A_539 : i32 to index
        %parallel_loop3A_541 = tpu.vector_load %arg11[%parallel_loop3A_540] {strides = array<i32>} : memref<24576xf32, #tpu.memory_space<vmem>>, vector<16xf32>,
        %parallel_loop3A_542 = arith.addf %parallel_loop3A_490, %parallel_loop3A_541 : vector<16xf32>
        %parallel_loop3A_543 = arith.addi %parallel_loop3A_136, %parallel_loop3A_211 : i32
        %parallel_loop3A_544 = arith.constant 128 : i32
        %parallel_loop3A_545 = arith.muli %parallel_loop3A_543, %parallel_loop3A_544 : i32
        %parallel_loop3A_546 = arith.constant 0 : i32
        %parallel_loop3A_547 = arith.addi %parallel_loop3A_545, %parallel_loop3A_546 : i32
        %parallel_loop3A_548 = arith.index_cast %parallel_loop3A_547 : i32 to index
        %parallel_loop3A_549 = tpu.vector_load %arg12[%parallel_loop3A_548] {strides = array<i32>} : memref<65536xf32, #tpu.memory_space<vmem>>, vector<16xf32>,
        tpu.vector_store %arg12[%parallel_loop3A_548], %parallel_loop3A_507 {strides = array<i32>} : memref<65536xf32, #tpu.memory_space<vmem>>, vector<16xf32>,
        %parallel_loop3A_550 = arith.constant 16 : i32
        %parallel_loop3A_551 = arith.addi %parallel_loop3A_545, %parallel_loop3A_550 : i32
        %parallel_loop3A_552 = arith.index_cast %parallel_loop3A_551 : i32 to index
        %parallel_loop3A_553 = tpu.vector_load %arg12[%parallel_loop3A_552] {strides = array<i32>} : memref<65536xf32, #tpu.memory_space<vmem>>, vector<16xf32>,
        tpu.vector_store %arg12[%parallel_loop3A_552], %parallel_loop3A_512 {strides = array<i32>} : memref<65536xf32, #tpu.memory_space<vmem>>, vector<16xf32>,
        %parallel_loop3A_554 = arith.constant 32 : i32
        %parallel_loop3A_555 = arith.addi %parallel_loop3A_545, %parallel_loop3A_554 : i32
        %parallel_loop3A_556 = arith.index_cast %parallel_loop3A_555 : i32 to index
        %parallel_loop3A_557 = tpu.vector_load %arg12[%parallel_loop3A_556] {strides = array<i32>} : memref<65536xf32, #tpu.memory_space<vmem>>, vector<16xf32>,
        tpu.vector_store %arg12[%parallel_loop3A_556], %parallel_loop3A_517 {strides = array<i32>} : memref<65536xf32, #tpu.memory_space<vmem>>, vector<16xf32>,
        %parallel_loop3A_558 = arith.constant 48 : i32
        %parallel_loop3A_559 = arith.addi %parallel_loop3A_545, %parallel_loop3A_558 : i32
        %parallel_loop3A_560 = arith.index_cast %parallel_loop3A_559 : i32 to index
        %parallel_loop3A_561 = tpu.vector_load %arg12[%parallel_loop3A_560] {strides = array<i32>} : memref<65536xf32, #tpu.memory_space<vmem>>, vector<16xf32>,
        tpu.vector_store %arg12[%parallel_loop3A_560], %parallel_loop3A_522 {strides = array<i32>} : memref<65536xf32, #tpu.memory_space<vmem>>, vector<16xf32>,
        %parallel_loop3A_562 = arith.constant 64 : i32
        %parallel_loop3A_563 = arith.addi %parallel_loop3A_545, %parallel_loop3A_562 : i32
        %parallel_loop3A_564 = arith.index_cast %parallel_loop3A_563 : i32 to index
        %parallel_loop3A_565 = tpu.vector_load %arg12[%parallel_loop3A_564] {strides = array<i32>} : memref<65536xf32, #tpu.memory_space<vmem>>, vector<16xf32>,
        tpu.vector_store %arg12[%parallel_loop3A_564], %parallel_loop3A_527 {strides = array<i32>} : memref<65536xf32, #tpu.memory_space<vmem>>, vector<16xf32>,
        %parallel_loop3A_566 = arith.constant 80 : i32
        %parallel_loop3A_567 = arith.addi %parallel_loop3A_545, %parallel_loop3A_566 : i32
        %parallel_loop3A_568 = arith.index_cast %parallel_loop3A_567 : i32 to index
        %parallel_loop3A_569 = tpu.vector_load %arg12[%parallel_loop3A_568] {strides = array<i32>} : memref<65536xf32, #tpu.memory_space<vmem>>, vector<16xf32>,
        tpu.vector_store %arg12[%parallel_loop3A_568], %parallel_loop3A_532 {strides = array<i32>} : memref<65536xf32, #tpu.memory_space<vmem>>, vector<16xf32>,
        %parallel_loop3A_570 = arith.constant 96 : i32
        %parallel_loop3A_571 = arith.addi %parallel_loop3A_545, %parallel_loop3A_570 : i32
        %parallel_loop3A_572 = arith.index_cast %parallel_loop3A_571 : i32 to index
        %parallel_loop3A_573 = tpu.vector_load %arg12[%parallel_loop3A_572] {strides = array<i32>} : memref<65536xf32, #tpu.memory_space<vmem>>, vector<16xf32>,
        tpu.vector_store %arg12[%parallel_loop3A_572], %parallel_loop3A_537 {strides = array<i32>} : memref<65536xf32, #tpu.memory_space<vmem>>, vector<16xf32>,
        %parallel_loop3A_574 = arith.constant 112 : i32
        %parallel_loop3A_575 = arith.addi %parallel_loop3A_545, %parallel_loop3A_574 : i32
        %parallel_loop3A_576 = arith.index_cast %parallel_loop3A_575 : i32 to index
        %parallel_loop3A_577 = tpu.vector_load %arg12[%parallel_loop3A_576] {strides = array<i32>} : memref<65536xf32, #tpu.memory_space<vmem>>, vector<16xf32>,
        tpu.vector_store %arg12[%parallel_loop3A_576], %parallel_loop3A_542 {strides = array<i32>} : memref<65536xf32, #tpu.memory_space<vmem>>, vector<16xf32>,
      } {sc.loop_unroll_factor = 2 : i64, sc.parallel_access}
      %parallel_loop3A_202 = arith.constant 128 : i32
      %parallel_loop3A_203 = arith.muli %parallel_loop3A_136, %parallel_loop3A_202 : i32
      %parallel_loop3A_204 = arith.addi %mul3A_2, %parallel_loop3A_136 : i32
      %parallel_loop3A_205 = arith.constant 128 : i32
      %parallel_loop3A_206 = arith.muli %parallel_loop3A_204, %parallel_loop3A_205 : i32
      %parallel_loop3A_207 = tpu.memref_slice %arg12[%parallel_loop3A_203] : memref<65536xf32, #tpu.memory_space<vmem>> -> memref<2048xf32, #tpu.memory_space<vmem>>
      %parallel_loop3A_208 = tpu.memref_slice %arg10[%parallel_loop3A_206] : memref<2097152xf32, #tpu.memory_space<hbm>> -> memref<2048xf32, #tpu.memory_space<hbm>>
      %parallel_loop3A_209 = tpu.memref_slice %arg10[%parallel_loop3A_206] : memref<2097152xf32, #tpu.memory_space<hbm>> -> memref<2048xf32, #tpu.memory_space<hbm>>
      %parallel_loop3A_210 = tpu.memref_slice %arg12[%parallel_loop3A_203] : memref<65536xf32, #tpu.memory_space<vmem>> -> memref<2048xf32, #tpu.memory_space<vmem>>
      tpu.enqueue_dma source(%parallel_loop3A_210 : memref<2048xf32, #tpu.memory_space<vmem>>) target(%parallel_loop3A_209 : memref<2048xf32, #tpu.memory_space<hbm>>) target_semaphore(%arg16 : memref<!tpu.dma_semaphore, #tpu.memory_space<semaphore_mem>>)
    } {sc.loop_unroll_factor = 1 : i64, sc.parallel_access}
    %mul3A_130 = arith.constant 128 : i32
    %mul3A_131 = arith.muli %mul3A_2, %mul3A_130 : i32
    %dma_wait3A_132 = tpu.memref_slice %arg10[%mul3A_131] : memref<2097152xf32, #tpu.memory_space<hbm>> -> memref<65536xf32, #tpu.memory_space<hbm>>
    %dma_wait3A_133 = tpu.memref_slice %arg10[%mul3A_131] : memref<2097152xf32, #tpu.memory_space<hbm>> -> memref<65536xf32, #tpu.memory_space<hbm>>
    tpu.wait_dma2 semaphore(%arg16 : memref<!tpu.dma_semaphore, #tpu.memory_space<semaphore_mem>>) src(%arg12 : memref<65536xf32, #tpu.memory_space<vmem>>) dst(%dma_wait3A_133 : memref<65536xf32, #tpu.memory_space<hbm>>)
    return
  }
}

module attributes {stable_mosaic.version = 14 : i64} {
  func.func @_table_kernel(%arg0: memref<25x32xf32, #tpu.memory_space<vmem>>, %arg1: memref<6x32xf32, #tpu.memory_space<vmem>>, %arg2: memref<1x32xf32, #tpu.memory_space<vmem>>, %arg3: memref<192x128xf32, #tpu.memory_space<vmem>>, %arg4: memref<128xf32, #tpu.memory_space<vmem>>, %arg5: memref<192x128xf32, #tpu.memory_space<vmem>>) attributes {dimension_semantics = [], scalar_prefetch = 0 : i64, scratch_operands = 0 : i64, tpu.core_type = #tpu.core_type<tc>} {
    %get3A = arith.constant 0 : index
    %get3A_0 = arith.constant 0 : index
    %get3A_1 = vector.load %arg0[%get3A, %get3A_0] : memref<25x32xf32, #tpu.memory_space<vmem>>, vector<25x32xf32>
    %mul3A = arith.mulf %get3A_1, %get3A_1 : vector<25x32xf32>
    %reduce_sum3A = arith.constant dense<0.000000e+00> : vector<25xf32>
    %reduce_sum3A_2 = vector.multi_reduction <add>, %mul3A, %reduce_sum3A [1] : vector<25x32xf32> to vector<25xf32>
    %broadcast_in_dim3A = vector.shape_cast %reduce_sum3A_2 : vector<25xf32> to vector<25x1xf32>
    %sqrt3A = math.sqrt %broadcast_in_dim3A : vector<25x1xf32>
    %gt3A = arith.constant 1.000000e+00 : f32
    %gt3A_3 = vector.broadcast %gt3A : f32 to vector<25x1xf32>
    %gt3A_4 = arith.cmpf ogt, %sqrt3A, %gt3A_3 : vector<25x1xf32>
    %add3A = arith.constant 1.000000e-07 : f32
    %add3A_5 = vector.broadcast %add3A : f32 to vector<25x1xf32>
    %add3A_6 = arith.addf %sqrt3A, %add3A_5 : vector<25x1xf32>
    %div3A = arith.constant 1.000000e+00 : f32
    %div3A_7 = vector.broadcast %div3A : f32 to vector<25x1xf32>
    %div3A_8 = arith.divf %div3A_7, %add3A_6 : vector<25x1xf32>
    %broadcast_in_dim3A_9 = arith.constant 1.000000e+00 : f32
    %broadcast_in_dim3A_10 = vector.broadcast %broadcast_in_dim3A_9 : f32 to vector<25x1xf32>
    %select_n3A = arith.select %gt3A_4, %div3A_8, %broadcast_in_dim3A_10 : vector<25x1xi1>, vector<25x1xf32>
    %mul3A_11 = vector.broadcast %select_n3A : vector<25x1xf32> to vector<25x32xf32>
    %mul3A_12 = arith.mulf %get3A_1, %mul3A_11 : vector<25x32xf32>
    %broadcast_in_dim3A_13 = arith.constant 0.000000e+00 : f32
    %broadcast_in_dim3A_14 = vector.broadcast %broadcast_in_dim3A_13 : f32 to vector<7x32xf32>
    %concatenate3A = tpu.concatenate %mul3A_12, %broadcast_in_dim3A_14 in 0 : vector<25x32xf32>, vector<7x32xf32> -> vector<32x32xf32>
    %get3A_15 = arith.constant 0 : index
    %get3A_16 = arith.constant 0 : index
    %get3A_17 = vector.load %arg3[%get3A_15, %get3A_16] : memref<192x128xf32, #tpu.memory_space<vmem>>, vector<192x128xf32>
    %get3A_18 = arith.constant 0 : index
    %get3A_19 = vector.load %arg4[%get3A_18] : memref<128xf32, #tpu.memory_space<vmem>>, vector<128xf32>
    %get3A_20 = arith.constant 0 : index
    %get3A_21 = arith.constant 0 : index
    %get3A_22 = vector.load %arg1[%get3A_20, %get3A_21] : memref<6x32xf32, #tpu.memory_space<vmem>>, vector<1x32xf32>
    %slice3A = vector.extract_strided_slice %get3A_17 {offsets = [0, 0], sizes = [32, 128], strides = [1, 1]} : vector<192x128xf32> to vector<32x128xf32>
    %dot_general3A = arith.constant dense<0.000000e+00> : vector<1x128xf32>
    %dot_general3A_23 = tpu.matmul %get3A_22, %slice3A, %dot_general3A {dimension_numbers = #tpu.dot_dimension_numbers<[1], [0], [0], [1], [0, 0, 1, 1], [], []>, transpose_lhs_hint = false} : vector<1x32xf32>, vector<32x128xf32>, vector<1x128xf32> -> vector<1x128xf32>
    %broadcast_in_dim3A_24 = vector.shape_cast %get3A_19 : vector<128xf32> to vector<1x128xf32>
    %add3A_25 = arith.addf %broadcast_in_dim3A_24, %dot_general3A_23 : vector<1x128xf32>
    %get3A_26 = arith.constant 1 : index
    %get3A_27 = arith.constant 0 : index
    %get3A_28 = vector.load %arg1[%get3A_26, %get3A_27] : memref<6x32xf32, #tpu.memory_space<vmem>>, vector<1x32xf32>
    %slice3A_29 = vector.extract_strided_slice %get3A_17 {offsets = [32, 0], sizes = [32, 128], strides = [1, 1]} : vector<192x128xf32> to vector<32x128xf32>
    %dot_general3A_30 = arith.constant dense<0.000000e+00> : vector<1x128xf32>
    %dot_general3A_31 = tpu.matmul %get3A_28, %slice3A_29, %dot_general3A_30 {dimension_numbers = #tpu.dot_dimension_numbers<[1], [0], [0], [1], [0, 0, 1, 1], [], []>, transpose_lhs_hint = false} : vector<1x32xf32>, vector<32x128xf32>, vector<1x128xf32> -> vector<1x128xf32>
    %add3A_32 = arith.addf %add3A_25, %dot_general3A_31 : vector<1x128xf32>
    %get3A_33 = arith.constant 2 : index
    %get3A_34 = arith.constant 0 : index
    %get3A_35 = vector.load %arg1[%get3A_33, %get3A_34] : memref<6x32xf32, #tpu.memory_space<vmem>>, vector<1x32xf32>
    %slice3A_36 = vector.extract_strided_slice %get3A_17 {offsets = [64, 0], sizes = [32, 128], strides = [1, 1]} : vector<192x128xf32> to vector<32x128xf32>
    %dot_general3A_37 = arith.constant dense<0.000000e+00> : vector<1x128xf32>
    %dot_general3A_38 = tpu.matmul %get3A_35, %slice3A_36, %dot_general3A_37 {dimension_numbers = #tpu.dot_dimension_numbers<[1], [0], [0], [1], [0, 0, 1, 1], [], []>, transpose_lhs_hint = false} : vector<1x32xf32>, vector<32x128xf32>, vector<1x128xf32> -> vector<1x128xf32>
    %add3A_39 = arith.addf %add3A_32, %dot_general3A_38 : vector<1x128xf32>
    %get3A_40 = arith.constant 3 : index
    %get3A_41 = arith.constant 0 : index
    %get3A_42 = vector.load %arg1[%get3A_40, %get3A_41] : memref<6x32xf32, #tpu.memory_space<vmem>>, vector<1x32xf32>
    %slice3A_43 = vector.extract_strided_slice %get3A_17 {offsets = [96, 0], sizes = [32, 128], strides = [1, 1]} : vector<192x128xf32> to vector<32x128xf32>
    %dot_general3A_44 = arith.constant dense<0.000000e+00> : vector<1x128xf32>
    %dot_general3A_45 = tpu.matmul %get3A_42, %slice3A_43, %dot_general3A_44 {dimension_numbers = #tpu.dot_dimension_numbers<[1], [0], [0], [1], [0, 0, 1, 1], [], []>, transpose_lhs_hint = false} : vector<1x32xf32>, vector<32x128xf32>, vector<1x128xf32> -> vector<1x128xf32>
    %add3A_46 = arith.addf %add3A_39, %dot_general3A_45 : vector<1x128xf32>
    %get3A_47 = arith.constant 4 : index
    %get3A_48 = arith.constant 0 : index
    %get3A_49 = vector.load %arg1[%get3A_47, %get3A_48] : memref<6x32xf32, #tpu.memory_space<vmem>>, vector<1x32xf32>
    %slice3A_50 = vector.extract_strided_slice %get3A_17 {offsets = [128, 0], sizes = [32, 128], strides = [1, 1]} : vector<192x128xf32> to vector<32x128xf32>
    %dot_general3A_51 = arith.constant dense<0.000000e+00> : vector<1x128xf32>
    %dot_general3A_52 = tpu.matmul %get3A_49, %slice3A_50, %dot_general3A_51 {dimension_numbers = #tpu.dot_dimension_numbers<[1], [0], [0], [1], [0, 0, 1, 1], [], []>, transpose_lhs_hint = false} : vector<1x32xf32>, vector<32x128xf32>, vector<1x128xf32> -> vector<1x128xf32>
    %add3A_53 = arith.addf %add3A_46, %dot_general3A_52 : vector<1x128xf32>
    %get3A_54 = arith.constant 5 : index
    %get3A_55 = arith.constant 0 : index
    %get3A_56 = vector.load %arg1[%get3A_54, %get3A_55] : memref<6x32xf32, #tpu.memory_space<vmem>>, vector<1x32xf32>
    %slice3A_57 = vector.extract_strided_slice %get3A_17 {offsets = [160, 0], sizes = [32, 128], strides = [1, 1]} : vector<192x128xf32> to vector<32x128xf32>
    %dot_general3A_58 = arith.constant dense<0.000000e+00> : vector<1x128xf32>
    %dot_general3A_59 = tpu.matmul %get3A_56, %slice3A_57, %dot_general3A_58 {dimension_numbers = #tpu.dot_dimension_numbers<[1], [0], [0], [1], [0, 0, 1, 1], [], []>, transpose_lhs_hint = false} : vector<1x32xf32>, vector<32x128xf32>, vector<1x128xf32> -> vector<1x128xf32>
    %add3A_60 = arith.addf %add3A_53, %dot_general3A_59 : vector<1x128xf32>
    %get3A_61 = arith.constant 0 : index
    %get3A_62 = arith.constant 0 : index
    %get3A_63 = vector.load %arg2[%get3A_61, %get3A_62] : memref<1x32xf32, #tpu.memory_space<vmem>>, vector<1x32xf32>
    %slice3A_64 = vector.extract_strided_slice %get3A_17 {offsets = [0, 0], sizes = [32, 128], strides = [1, 1]} : vector<192x128xf32> to vector<32x128xf32>
    %dot_general3A_65 = arith.constant dense<0.000000e+00> : vector<1x128xf32>
    %dot_general3A_66 = tpu.matmul %get3A_63, %slice3A_64, %dot_general3A_65 {dimension_numbers = #tpu.dot_dimension_numbers<[1], [0], [0], [1], [0, 0, 1, 1], [], []>, transpose_lhs_hint = false} : vector<1x32xf32>, vector<32x128xf32>, vector<1x128xf32> -> vector<1x128xf32>
    %mul3A_67 = arith.constant 0.0101010101 : f32
    %mul3A_68 = vector.broadcast %mul3A_67 : f32 to vector<1x128xf32>
    %mul3A_69 = arith.mulf %dot_general3A_66, %mul3A_68 : vector<1x128xf32>
    %iota3A = tpu.iota {dimensions = array<i32: 0>} : vector<32x128xi32>
    %slice3A_70 = vector.extract_strided_slice %get3A_17 {offsets = [0, 0], sizes = [32, 128], strides = [1, 1]} : vector<192x128xf32> to vector<32x128xf32>
    %dot_general3A_71 = arith.constant dense<0.000000e+00> : vector<32x128xf32>
    %dot_general3A_72 = tpu.matmul %concatenate3A, %slice3A_70, %dot_general3A_71 {dimension_numbers = #tpu.dot_dimension_numbers<[1], [0], [0], [1], [0, 0, 1, 1], [], []>, transpose_lhs_hint = false} : vector<32x32xf32>, vector<32x128xf32>, vector<32x128xf32> -> vector<32x128xf32>
    %lt3A = arith.constant 25 : i32
    %lt3A_73 = vector.broadcast %lt3A : i32 to vector<32x128xi32>
    %lt3A_74 = arith.cmpi slt, %iota3A, %lt3A_73 : vector<32x128xi32>
    %add3A_75 = vector.broadcast %add3A_60 : vector<1x128xf32> to vector<32x128xf32>
    %add3A_76 = arith.addf %dot_general3A_72, %add3A_75 : vector<32x128xf32>
    %select_n3A_77 = arith.select %lt3A_74, %add3A_76, %dot_general3A_72 : vector<32x128xi1>, vector<32x128xf32>
    %eq3A = arith.constant 25 : i32
    %eq3A_78 = vector.broadcast %eq3A : i32 to vector<32x128xi32>
    %eq3A_79 = arith.cmpi eq, %iota3A, %eq3A_78 : vector<32x128xi32>
    %broadcast_in_dim3A_80 = vector.shape_cast %mul3A_69 : vector<1x128xf32> to vector<1x128xf32>
    %broadcast_in_dim3A_81 = vector.broadcast %broadcast_in_dim3A_80 : vector<1x128xf32> to vector<32x128xf32>
    %select_n3A_82 = arith.select %eq3A_79, %broadcast_in_dim3A_81, %select_n3A_77 : vector<32x128xi1>, vector<32x128xf32>
    %swap3A = arith.constant 0 : index
    %swap3A_83 = arith.constant 0 : index
    %swap3A_84 = vector.load %arg5[%swap3A, %swap3A_83] : memref<192x128xf32, #tpu.memory_space<vmem>>, vector<32x128xf32>
    tpu.vector_store %arg5[%swap3A, %swap3A_83], %select_n3A_82 {strides = array<i32>} : memref<192x128xf32, #tpu.memory_space<vmem>>, vector<32x128xf32>,
    %slice3A_85 = vector.extract_strided_slice %get3A_17 {offsets = [32, 0], sizes = [32, 128], strides = [1, 1]} : vector<192x128xf32> to vector<32x128xf32>
    %dot_general3A_86 = arith.constant dense<0.000000e+00> : vector<32x128xf32>
    %dot_general3A_87 = tpu.matmul %concatenate3A, %slice3A_85, %dot_general3A_86 {dimension_numbers = #tpu.dot_dimension_numbers<[1], [0], [0], [1], [0, 0, 1, 1], [], []>, transpose_lhs_hint = false} : vector<32x32xf32>, vector<32x128xf32>, vector<32x128xf32> -> vector<32x128xf32>
    %swap3A_88 = arith.constant 32 : index
    %swap3A_89 = arith.constant 0 : index
    %swap3A_90 = vector.load %arg5[%swap3A_88, %swap3A_89] : memref<192x128xf32, #tpu.memory_space<vmem>>, vector<32x128xf32>
    tpu.vector_store %arg5[%swap3A_88, %swap3A_89], %dot_general3A_87 {strides = array<i32>} : memref<192x128xf32, #tpu.memory_space<vmem>>, vector<32x128xf32>,
    %slice3A_91 = vector.extract_strided_slice %get3A_17 {offsets = [64, 0], sizes = [32, 128], strides = [1, 1]} : vector<192x128xf32> to vector<32x128xf32>
    %dot_general3A_92 = arith.constant dense<0.000000e+00> : vector<32x128xf32>
    %dot_general3A_93 = tpu.matmul %concatenate3A, %slice3A_91, %dot_general3A_92 {dimension_numbers = #tpu.dot_dimension_numbers<[1], [0], [0], [1], [0, 0, 1, 1], [], []>, transpose_lhs_hint = false} : vector<32x32xf32>, vector<32x128xf32>, vector<32x128xf32> -> vector<32x128xf32>
    %swap3A_94 = arith.constant 64 : index
    %swap3A_95 = arith.constant 0 : index
    %swap3A_96 = vector.load %arg5[%swap3A_94, %swap3A_95] : memref<192x128xf32, #tpu.memory_space<vmem>>, vector<32x128xf32>
    tpu.vector_store %arg5[%swap3A_94, %swap3A_95], %dot_general3A_93 {strides = array<i32>} : memref<192x128xf32, #tpu.memory_space<vmem>>, vector<32x128xf32>,
    %slice3A_97 = vector.extract_strided_slice %get3A_17 {offsets = [96, 0], sizes = [32, 128], strides = [1, 1]} : vector<192x128xf32> to vector<32x128xf32>
    %dot_general3A_98 = arith.constant dense<0.000000e+00> : vector<32x128xf32>
    %dot_general3A_99 = tpu.matmul %concatenate3A, %slice3A_97, %dot_general3A_98 {dimension_numbers = #tpu.dot_dimension_numbers<[1], [0], [0], [1], [0, 0, 1, 1], [], []>, transpose_lhs_hint = false} : vector<32x32xf32>, vector<32x128xf32>, vector<32x128xf32> -> vector<32x128xf32>
    %swap3A_100 = arith.constant 96 : index
    %swap3A_101 = arith.constant 0 : index
    %swap3A_102 = vector.load %arg5[%swap3A_100, %swap3A_101] : memref<192x128xf32, #tpu.memory_space<vmem>>, vector<32x128xf32>
    tpu.vector_store %arg5[%swap3A_100, %swap3A_101], %dot_general3A_99 {strides = array<i32>} : memref<192x128xf32, #tpu.memory_space<vmem>>, vector<32x128xf32>,
    %slice3A_103 = vector.extract_strided_slice %get3A_17 {offsets = [128, 0], sizes = [32, 128], strides = [1, 1]} : vector<192x128xf32> to vector<32x128xf32>
    %dot_general3A_104 = arith.constant dense<0.000000e+00> : vector<32x128xf32>
    %dot_general3A_105 = tpu.matmul %concatenate3A, %slice3A_103, %dot_general3A_104 {dimension_numbers = #tpu.dot_dimension_numbers<[1], [0], [0], [1], [0, 0, 1, 1], [], []>, transpose_lhs_hint = false} : vector<32x32xf32>, vector<32x128xf32>, vector<32x128xf32> -> vector<32x128xf32>
    %swap3A_106 = arith.constant 128 : index
    %swap3A_107 = arith.constant 0 : index
    %swap3A_108 = vector.load %arg5[%swap3A_106, %swap3A_107] : memref<192x128xf32, #tpu.memory_space<vmem>>, vector<32x128xf32>
    tpu.vector_store %arg5[%swap3A_106, %swap3A_107], %dot_general3A_105 {strides = array<i32>} : memref<192x128xf32, #tpu.memory_space<vmem>>, vector<32x128xf32>,
    %slice3A_109 = vector.extract_strided_slice %get3A_17 {offsets = [160, 0], sizes = [32, 128], strides = [1, 1]} : vector<192x128xf32> to vector<32x128xf32>
    %dot_general3A_110 = arith.constant dense<0.000000e+00> : vector<32x128xf32>
    %dot_general3A_111 = tpu.matmul %concatenate3A, %slice3A_109, %dot_general3A_110 {dimension_numbers = #tpu.dot_dimension_numbers<[1], [0], [0], [1], [0, 0, 1, 1], [], []>, transpose_lhs_hint = false} : vector<32x32xf32>, vector<32x128xf32>, vector<32x128xf32> -> vector<32x128xf32>
    %swap3A_112 = arith.constant 160 : index
    %swap3A_113 = arith.constant 0 : index
    %swap3A_114 = vector.load %arg5[%swap3A_112, %swap3A_113] : memref<192x128xf32, #tpu.memory_space<vmem>>, vector<32x128xf32>
    tpu.vector_store %arg5[%swap3A_112, %swap3A_113], %dot_general3A_111 {strides = array<i32>} : memref<192x128xf32, #tpu.memory_space<vmem>>, vector<32x128xf32>,
    return
  }
}

</mosaic_0001>

<sc_bundles>
// kernel: kernel.4.cloned.1.call-start
scs
__scs_entry_jumppad:
0x0: {  	(pc) =	sbr.rel $0x88, $3  }
0x1: {  	(tag) =	ssettag $0x0;
	lr =	simm.s32 $0x1  }
0x2: {  	[smem:$0x3F95] =	sst lr;
	_ =	strace $0xD0000000  }
0x3: {  	_ = 	snop  }
0x4: {  	_ = 	snop  }
0x5: {  	_ = 	snop  }
0x6: {  	_ = 	snop  }
0x7: {  	_ = 	snop  }
__scs_overlays_trampoline_lowered:
0x8: {  	[smem:$0x3FA4] =	sst s0  }
0x9: {  	[smem:$0x3FA5] =	sst s1  }
0xa: {  	[smem:$0x3FA6] =	sst s2  }
0xb: {  	[smem:$0x3FA7] =	sst s3  }
0xc: {  	[smem:$0x3FA8] =	sst s4  }
0xd: {  	[smem:$0x3FA9] =	sst s5  }
0xe: {  	[smem:$0x3FAA] =	sst s6  }
0xf: {  	[smem:$0x3FAB] =	sst s7  }
0x10: {  	[smem:$0x3FAC] =	sst s8  }
0x11: {  	[smem:$0x3FAD] =	sst s9;
	s0 =	simm.s32 @!p0 $0x0  }
0x12: {  	s1 =	sld [smem:$0x3F93];
	s0 =	simm.s32 @p0 $0x1  }
0x13: {  	[smem:$0x3FAE] =	sst s0;
	s0 =	simm.s32 @!p1 $0x0  }
0x14: {  	s2 =	sld [smem:$0x3F92];
	s0 =	simm.s32 @p1 $0x1  }
0x15: {  	[smem:$0x3FAF] =	sst s0;
	s0 =	simm.s32 @!p2 $0x0  }
0x16: {  	s3 =	sld [smem:$0x3FDB];
	s0 =	simm.s32 @p2 $0x1  }
0x17: {  	s4 =	simm.s32 $0x1BF5;
	[smem:$0x3FB1] =	sst s0  }
0x18: {  	s0 =	sld [smem:$0x3F94];
	_ =	swait.ge [sflag:s4], $0x0  }
0x19: {  	s7 =	sld [smem:$0x3F95]  }
0x1a: {  	s8 =	sadd.s32 $0xFFFFE003, lr  }
0x1b: {  	s9 =	sadd.s32 $0xFFFFFEF7, lr;
	s5 =	simm.s32 $0xFFFFFFFF;
	p2 =	slt.u32 s8, $0xFFFFF086  }
0x1c: {  	p1 =	slt.u32 s9, $0xF7A;
	s5 =	simm.s32 @!p2 $0x0  }
0x1d: {  	s5 =	simm.s32 @p1 $0x1;
	p0 =	seq.s32 s7, s2  }
0x1e: {  	s7 =	smul.u32 @!p0 $0xF7A, s2;
	p2 =	seq.s32 @!p0 s5, $0x0  }
0x1f: {  	s9 =	smul.u32 $0xF7A, s1;
	s8 =	simm.s32 @!p0 $0x1BF5;
	p2 =	por !p2, p0  }
0x20: {  	[sflag:s8] =	ssyncset.s32 @!p0 $0xFFFFF086;
	s6 =	sadd.s32 @!p0 s3, s7;
	s7 =	simm.s32 @!p0 $0x108  }
0x21: {  	s3 =	sadd.s32 s3, s9;
	s6 =	sadd.s32 @!p0 $0x88, s6;
	s7 =	simm.s32 @p2 $0x1082  }
0x22: {  	[simem:s7], [sflag:s8] =	dma.local @!p0 [hbm:s6], $0xF7A  }
0x23: {  	s9 =	sor.u32 $0xD0000000, s2;
	s6 =	simm.s32 $0x108;
	_ =	swait.ge @!p0 [sflag:s8], $0x0  }
0x24: {  	s3 =	sadd.s32 $0x88, s3;
	s6 =	simm.s32 @!p1 $0x1082;
	[sflag:s4] =	ssyncset.s32 $0xFFFFF086  }
0x25: {  	[simem:s6], [sflag:s4] =	dma.local [hbm:s3], $0xF7A  }
0x26: {  	[smem:$0x3F95] =	sst s1;
	(tag) =	ssettag s2;
	_ =	strace s9  }
0x27: {  	s1 =	sld [smem:$0x3FA5]  }
0x28: {  	s2 =	sld [smem:$0x3FA6]  }
0x29: {  	s4 =	sld [smem:$0x3FA8]  }
0x2a: {  	p0 =	seq.s32 s5, $0x0;
	s5 =	sld [smem:$0x3FA9]  }
0x2b: {  	s6 =	sld [smem:$0x3FAA]  }
0x2c: {  	s7 =	sld [smem:$0x3FAB]  }
0x2d: {  	s3 =	simm.s32 $0x108;
	s8 =	sld [smem:$0x3FAC]  }
0x2e: {  	s3 =	simm.s32 @!p0 $0x1082;
	s9 =	sld [smem:$0x3FAD]  }
0x2f: {  	lr =	sadd.s32 s0, s3;
	s0 =	sld [smem:$0x3FA4]  }
0x30: {  	s3 =	sld [smem:$0x3FA7]  }
0x31: {  	[smem:$0x3FB0] =	sst s10  }
0x32: {  	s10 =	sld [smem:$0x3FAE];
	_ =	sdelay $0x3  }
0x33: {  	p0 =	seq.s32 s10, $0x1;
	s10 =	sld [smem:$0x3FB0];
	_ =	sdelay $0x3  }
0x34: {  	[smem:$0x3FB0] =	sst s10  }
0x35: {  	s10 =	sld [smem:$0x3FAF];
	_ =	sdelay $0x3  }
0x36: {  	p1 =	seq.s32 s10, $0x1;
	s10 =	sld [smem:$0x3FB0];
	_ =	sdelay $0x3  }
0x37: {  	[smem:$0x3FB0] =	sst s10  }
0x38: {  	s10 =	sld [smem:$0x3FB1]  }
0x39: {  	_ = 	snop;
	(pc) =	sbr.ind lr, $3  }
0x3a: {  	_ = 	snop  }
0x3b: {  	_ = 	snop  }
0x3c: {  	p2 =	seq.s32 s10, $0x1;
	s10 =	sld [smem:$0x3FB0]  }
0x3d: {  	_ =	shalt  }
0x3e: {  	_ =	shalt  }
0x3f: {  	_ =	shalt  }
0x40: {  	_ =	shalt  }
0x41: {  	_ =	shalt  }
0x42: {  	_ =	shalt  }
0x43: {  	_ =	shalt  }
0x44: {  	_ =	shalt  }
0x45: {  	_ =	shalt  }
0x46: {  	_ =	shalt  }
0x47: {  	_ =	shalt  }
0x48: {  	_ =	shalt  }
0x49: {  	_ =	shalt  }
0x4a: {  	_ =	shalt  }
0x4b: {  	_ =	shalt  }
0x4c: {  	_ =	shalt  }
0x4d: {  	_ =	shalt  }
0x4e: {  	_ =	shalt  }
0x4f: {  	_ =	shalt  }
0x50: {  	_ =	shalt  }
0x51: {  	_ =	shalt  }
0x52: {  	_ =	shalt  }
0x53: {  	_ =	shalt  }
0x54: {  	_ =	shalt  }
0x55: {  	_ =	shalt  }
0x56: {  	_ =	shalt  }
0x57: {  	_ =	shalt  }
0x58: {  	_ =	shalt  }
0x59: {  	_ =	shalt  }
0x5a: {  	_ =	shalt  }
0x5b: {  	_ =	shalt  }
0x5c: {  	_ =	shalt  }
0x5d: {  	_ =	shalt  }
0x5e: {  	_ =	shalt  }
0x5f: {  	_ =	shalt  }
0x60: {  	_ =	shalt  }
0x61: {  	_ =	shalt  }
0x62: {  	_ =	shalt  }
0x63: {  	_ =	shalt  }
0x64: {  	_ =	shalt  }
0x65: {  	_ =	shalt  }
0x66: {  	_ =	shalt  }
0x67: {  	_ =	shalt  }
0x68: {  	_ =	shalt  }
0x69: {  	_ =	shalt  }
0x6a: {  	_ =	shalt  }
0x6b: {  	_ =	shalt  }
0x6c: {  	_ =	shalt  }
0x6d: {  	_ =	shalt  }
0x6e: {  	_ =	shalt  }
0x6f: {  	_ =	shalt  }
0x70: {  	_ =	shalt  }
0x71: {  	_ =	shalt  }
0x72: {  	_ =	shalt  }
0x73: {  	_ =	shalt  }
0x74: {  	_ =	shalt  }
0x75: {  	_ =	shalt  }
0x76: {  	_ =	shalt  }
0x77: {  	_ =	shalt  }
0x78: {  	_ =	shalt  }
0x79: {  	_ =	shalt  }
0x7a: {  	_ =	shalt  }
0x7b: {  	_ =	shalt  }
0x7c: {  	_ =	shalt  }
0x7d: {  	_ =	shalt  }
0x7e: {  	_ =	shalt  }
0x7f: {  	_ =	shalt  }
0x80: {  	_ =	shalt  }
0x81: {  	_ =	shalt  }
0x82: {  	_ =	shalt  }
0x83: {  	_ =	shalt  }
0x84: {  	_ =	shalt  }
0x85: {  	_ =	shalt  }
0x86: {  	_ =	shalt  }
0x87: {  	_ =	shalt  }
.Lfunc_end0:
.L_simem_size_0:
called_computation_lowered:
.L_overlay_start_0:
0x88: {  	s2 =	sld [smem:$0x3FD9]  }
0x89: {  	s3 =	sld [smem:$0x3FFE];
	_ =	sdelay $0x1  }
0x8a: {  	s1 =	srdreg.scid  }
0x8b: {  	s0 =	sand.u32 $0x1, s1  }
0x8c: {  	s17 =	sshll.u32 s0, $0xA;
	s2 =	sadd.s32 s3, s2  }
0x8d: {  	s2 =	sadd.s32 s2, s17  }
0x8e: {  	[smem:$0x3FBC] =	sst s2  }
0x8f: {  	_ = 	snop  }
0x90: {  	s2 =	sld [smem:$0x3FC9]  }
0x91: {  	s18 =	sld [smem:$0x3FC8]  }
0x92: {  	s4 =	sld [smem:$0x3FC7]  }
0x93: {  	s5 =	sld [smem:$0x3FC6]  }
0x94: {  	s6 =	sld [smem:$0x3FC5]  }
0x95: {  	s7 =	sld [smem:$0x3FC4]  }
0x96: {  	s8 =	sld [smem:$0x3FC3]  }
0x97: {  	s9 =	sld [smem:$0x3FD0];
	(tm) =	ssettm $0x1  }
0x98: {  	s10 =	sld [smem:$0x3FFB];
	_ =	sdelay $0x3  }
0x99: {  	_ =	strace s10  }
0x9a: {  	s10 =	sld [smem:$0x3FFC];
	_ =	sdelay $0x3  }
0x9b: {  	_ =	strace s10  }
0x9c: {  	s10 =	sld [smem:$0x3FFD];
	_ =	sdelay $0x3  }
0x9d: {  	_ =	strace s10  }
0x9e: {  	_ =	strace $0x8FFFFFFF  }
0x9f: {  	s19 =	sld [smem:$0x3FDB];
	_ =	sdelay $0x1  }
0xa0: {  	s11 =	simm.s32 $_scs_section_size  }
0xa1: {  	s12 =	simm.s32 $_size__tile_overlayer_lowered;
	s13 =	simm.s32 $_tile_overlayer_lowered  }
0xa2: {  	s22 =	simm.s32 $0x1BFF;
	s21 =	sshll.u32 s13, $0x1;
	s10 =	sadd.s32 s11, s19  }
0xa3: {  	s14 =	simm.s32 $0x0;
	s20 =	sshll.u32 s12, $0x1;
	s12 =	sadd.s32 s21, s10  }
0xa4: {  	[timem:s14], [sflag:s22] =	dma.local [hbm:s12], s20  }
0xa5: {  	_ =	swait.ge [sflag:s22], s20  }
0xa6: {  	s11 =	ssub.s32 $0x0, s20;
	[sflag:s22] =	ssyncset.done $0x0  }
0xa7: {  	[sflag:s22] =	ssyncadd.s32 s11;
	_ =	sdelay $0x1  }
0xa8: {  	s23 =	simm.s32 $0x1B8B  }
0xa9: {  	_ =	swait.ge [sflag:s23], $0x1  }
0xaa: {  	[sflag:s23] =	ssyncset.done $0x0  }
0xab: {  	s25 =	simm.s32 $0x1B8E;
	s24 =	sld [smem:$0x3FFE];
	[sflag:s23] =	ssyncadd.s32 $0xFFFFFFFF  }
0xac: {  	s26 =	simm.s32 $execute0_lowered;
	[smem:$0x3FD2] =	sst s25  }
0xad: {  	s12 =	sshll.u32 s26, $0x1;
	_ =	strace $0x80000046;
	[dreg:$0x1] =	wrdreg $0xFFFFFFFF  }
0xae: {  	s28 =	simm.s32 $_size_execute0_lowered;
	s10 =	sadd.s32 s10, s12;
	[dreg:$0x0] =	wrdreg $0x0  }
0xaf: {  	s12 =	sshll.u32 s28, $0x1;
	[dreg:$0x2] =	wrdreg s10  }
0xb0: {  	[dreg:$0x3] =	wrdreg s12  }
0xb1: {  	[dreg:$0x4] =	wrdreg $0xC0  }
0xb2: {  	_ =	task [dreg:s14], $0x5FFFF  }
0xb3: {  	[dreg:$0x1] =	wrdreg $0xFFFFFFFF  }
0xb4: {  	[dreg:$0x0] =	wrdreg $0x60  }
0xb5: {  	[dreg:$0x2] =	wrdreg s24  }
0xb6: {  	[dreg:$0x3] =	wrdreg s2  }
0xb7: {  	[dreg:$0x4] =	wrdreg s18  }
0xb8: {  	[dreg:$0x5] =	wrdreg s4  }
0xb9: {  	[dreg:$0x6] =	wrdreg s5  }
0xba: {  	[dreg:$0x7] =	wrdreg s6  }
0xbb: {  	[dreg:$0x8] =	wrdreg s7  }
0xbc: {  	[dreg:$0x9] =	wrdreg s8  }
0xbd: {  	[dreg:$0xa] =	wrdreg s9  }
0xbe: {  	[dreg:$0xb] =	wrdreg $0x9  }
0xbf: {  	_ =	task.clear_ibuf [dreg:s14], $0xCFFFF;
	_ =	strace $0x90000046  }
0xc0: {  	s29 =	simm.s32 $0x9;
	_ =	strace $0x80000048  }
0xc1: {  	_ =	swait.ge [sflag:s29], $0x1  }
0xc2: {  	[sflag:s29] =	ssyncadd.s32 $0xFFFFFFFF  }
0xc3: {  	_ =	strace $0x90000048  }
0xc4: {  	_ =	sfence  }
0xc5: {  	s30 =	sld [smem:$0x0];
	_ =	sdelay $0x2  }
0xc6: {  	s31 =	sshll.u32 s1, $0xD;
	s1 =	sshrl.u32 s1, $0x2  }
0xc7: {  	s3 =	sand.u32 $0x4000, s31;
	s1 =	sadd.s32 s1, s30  }
0xc8: {  	s0 =	sor.u32 s3, s0;
	s1 =	sshll.u32 s1, $0x11  }
0xc9: {  	s0 =	sor.u32 s1, s0  }
0xca: {  	s0 =	sadd.s32 $0x8F2B, s0  }
0xcb: {  	[sflag:s0] =	ssyncadd.remote.s32 $0x1  }
0xcc: {  	_ =	sfence.sel $0xFFFF  }
0xcd: {  	[dreg:$0x0] =	wrdreg $0xFFFFFFFF;
	(pc) =	sbr.abs _section_cstart, $3  }
0xce: {  	[dreg:$0x1] =	wrdreg $0xFFFFFFFF  }
0xcf: {  	_ =	task.clear_ibuf [dreg:s14], $0x2FFFF;
	_ =	strace $0x9FFFFFFF  }
0xd0: {  	(tm) =	ssettm $0x7FFFFFFF  }
0xd1: {  	_ =	shalt  }
tec
execute0_lowered:
.L_overlay_start_1:
0x0: {  	(tag) =	ssettag $0x1  }
0x1: {  	s0 =	rddreg [dreg:$0x0]  }
0x2: {  	s2 =	rddreg [dreg:$0x1]  }
0x3: {  	s5 =	rddreg [dreg:$0x2]  }
0x4: {  	s8 =	rddreg [dreg:$0x3]  }
0x5: {  	s9 =	rddreg [dreg:$0x4]  }
0x6: {  	s10 =	rddreg [dreg:$0x5]  }
0x7: {  	s11 =	rddreg [dreg:$0x6]  }
0x8: {  	s12 =	rddreg [dreg:$0x7]  }
0x9: {  	s1 =	rddreg [dreg:$0x8];
	s4 =	srdreg.scid  }
0xa: {  	s3 =	simm.s32 $0x0;
	s7 =	stileid.u32;
	s4 =	sand.u32 $0x1, s4  }
0xb: {  	s7 =	sshll.u32 s7, $0xA;
	s6 =	ssub.s32 $0x2, s4;
	s4 =	sshll.u32 s4, $0x9  }
0xc: {  	[smem:$0x7FF] =	sst s3;
	s0 =	sadd.s32 $0x1000, s0;
	s4 =	sor.u32 s4, s7  }
0xd: {  	_ =	strace $0x80000047;
	s13 =	sshrl.u32 s6, $0x1;
	s16 =	sshrl.u32 s4, $0x3  }
0xe: {  	[dreg:$0xa] =	wrdreg s0;
	s15 =	ssub.s32 s6, s13;
	s6 =	sadd.s32 s2, s16  }
0xf: {  	s7 =	sadd.s32 s5, s16;
	s8 =	sadd.s32 s8, s16;
	s17 =	sadd.s32 s12, s16  }
0x10: {  	s9 =	sadd.s32 s9, s16;
	s0 =	smax.u32 s15, $0x1;
	[dreg:$0xb] =	wrdreg s17  }
0x11: {  	s10 =	sadd.s32 s10, s16;
	[dreg:$0xc] =	wrdreg s0;
	s18 =	sadd.s32 $0x10, s6  }
0x12: {  	s11 =	sadd.s32 s11, s16;
	s19 =	sadd.s32 $0x20, s6;
	[dreg:$0xd] =	wrdreg s18  }
0x13: {  	s2 =	simm.s32 $0x1;
	s20 =	sadd.s32 $0x30, s6;
	[dreg:$0xe] =	wrdreg s19  }
0x14: {  	s5 =	simm.s32 $0x2;
	s21 =	sadd.s32 $0x10, s7;
	[dreg:$0xf] =	wrdreg s20  }
0x15: {  	s12 =	simm.s32 $0x0;
	s22 =	sadd.s32 $0x20, s7;
	[dreg:$0x10] =	wrdreg s21  }
0x16: {  	s23 =	sadd.s32 $0x30, s7;
	s24 =	sadd.s32 $0x10, s8;
	[dreg:$0x11] =	wrdreg s22  }
0x17: {  	s25 =	sadd.s32 $0x20, s8;
	s26 =	sadd.s32 $0x30, s8;
	[dreg:$0x12] =	wrdreg s23  }
0x18: {  	s28 =	sadd.s32 $0x20, s10;
	s29 =	sadd.s32 $0x30, s10;
	[dreg:$0x13] =	wrdreg s24  }
0x19: {  	s30 =	sadd.s32 $0x10, s11;
	s31 =	sadd.s32 $0x20, s11;
	[dreg:$0x14] =	wrdreg s25  }
0x1a: {  	s0 =	sadd.s32 $0x30, s11;
	[dreg:$0x15] =	wrdreg s26;
	s23 =	sadd.s32 $0x10, s9  }
0x1b: {  	s24 =	sadd.s32 $0x20, s9;
	s25 =	sadd.s32 $0x30, s9;
	s26 =	sadd.s32 $0x10, s10  }
.LBB2_1:
0x1c: {  	s13 =	rddreg [dreg:$0xa]  }
0x1d: {  	[tilespmem:s3], [sflag:$0x1] =	stream.linear.gather [hbm4b:s13+s3], $0x6000, $0x38;
	[tilespmem:$0x17200] =	vst v63  }
0x1e: {  	s16 =	simm.s32 $0x16000  }
0x1f: {  	[tilespmem:s16], [sflag:$0x1] =	stream.linear.gather [hbm4b:s6+s3], $0x80, $0x38;
	[tilespmem:$0x17200] =	vst v63  }
0x20: {  	s17 =	rddreg [dreg:$0xd];
	s14 =	simm.s32 $0x16400  }
0x21: {  	[tilespmem:s14], [sflag:$0x1] =	stream.linear.gather [hbm4b:s17+s3], $0x80, $0x38;
	[tilespmem:$0x17200] =	vst v63  }
0x22: {  	s18 =	rddreg [dreg:$0xe];
	s19 =	simm.s32 $0x16800  }
0x23: {  	[tilespmem:s19], [sflag:$0x1] =	stream.linear.gather [hbm4b:s18+s3], $0x80, $0x38;
	[tilespmem:$0x17200] =	vst v63  }
0x24: {  	s20 =	rddreg [dreg:$0xf];
	s21 =	simm.s32 $0x16C00  }
0x25: {  	[tilespmem:s21], [sflag:$0x1] =	stream.linear.gather [hbm4b:s20+s3], $0x80, $0x38;
	[tilespmem:$0x17200] =	vst v63  }
0x26: {  	s22 =	simm.s32 $0x16080  }
0x27: {  	[tilespmem:s22], [sflag:$0x1] =	stream.linear.gather [hbm4b:s7+s3], $0x80, $0x38;
	[tilespmem:$0x17200] =	vst v63  }
0x28: {  	s15 =	simm.s32 $0x16480;
	s14 =	rddreg [dreg:$0x10]  }
0x29: {  	[tilespmem:s15], [sflag:$0x1] =	stream.linear.gather [hbm4b:s14+s3], $0x80, $0x38;
	[tilespmem:$0x17200] =	vst v63  }
0x2a: {  	s16 =	rddreg [dreg:$0x11];
	s17 =	simm.s32 $0x16880  }
0x2b: {  	[tilespmem:s17], [sflag:$0x1] =	stream.linear.gather [hbm4b:s16+s3], $0x80, $0x38;
	[tilespmem:$0x17200] =	vst v63  }
0x2c: {  	s18 =	rddreg [dreg:$0x12];
	s19 =	simm.s32 $0x16C80  }
0x2d: {  	[tilespmem:s19], [sflag:$0x1] =	stream.linear.gather [hbm4b:s18+s3], $0x80, $0x38;
	[tilespmem:$0x17200] =	vst v63  }
0x2e: {  	s20 =	simm.s32 $0x16100  }
0x2f: {  	[tilespmem:s20], [sflag:$0x1] =	stream.linear.gather [hbm4b:s8+s3], $0x80, $0x38;
	[tilespmem:$0x17200] =	vst v63  }
0x30: {  	s21 =	rddreg [dreg:$0x13];
	s22 =	simm.s32 $0x16500  }
0x31: {  	[tilespmem:s22], [sflag:$0x1] =	stream.linear.gather [hbm4b:s21+s3], $0x80, $0x38;
	[tilespmem:$0x17200] =	vst v63  }
0x32: {  	s14 =	rddreg [dreg:$0x14];
	s15 =	simm.s32 $0x16900  }
0x33: {  	[tilespmem:s15], [sflag:$0x1] =	stream.linear.gather [hbm4b:s14+s3], $0x80, $0x38;
	[tilespmem:$0x17200] =	vst v63  }
0x34: {  	s16 =	rddreg [dreg:$0x15];
	s17 =	simm.s32 $0x16D00  }
0x35: {  	[tilespmem:s17], [sflag:$0x1] =	stream.linear.gather [hbm4b:s16+s3], $0x80, $0x38;
	[tilespmem:$0x17200] =	vst v63  }
0x36: {  	s18 =	simm.s32 $0x16180  }
0x37: {  	[tilespmem:s18], [sflag:$0x1] =	stream.linear.gather [hbm4b:s9+s3], $0x80, $0x38;
	[tilespmem:$0x17200] =	vst v63  }
0x38: {  	s19 =	simm.s32 $0x16580  }
0x39: {  	[tilespmem:s19], [sflag:$0x1] =	stream.linear.gather [hbm4b:s23+s3], $0x80, $0x38;
	[tilespmem:$0x17200] =	vst v63  }
0x3a: {  	s20 =	simm.s32 $0x16980  }
0x3b: {  	[tilespmem:s20], [sflag:$0x1] =	stream.linear.gather [hbm4b:s24+s3], $0x80, $0x38;
	[tilespmem:$0x17200] =	vst v63  }
0x3c: {  	s21 =	simm.s32 $0x16D80  }
0x3d: {  	[tilespmem:s21], [sflag:$0x1] =	stream.linear.gather [hbm4b:s25+s3], $0x80, $0x38;
	[tilespmem:$0x17200] =	vst v63  }
0x3e: {  	s22 =	simm.s32 $0x16200  }
0x3f: {  	[tilespmem:s22], [sflag:$0x1] =	stream.linear.gather [hbm4b:s10+s3], $0x80, $0x38;
	[tilespmem:$0x17200] =	vst v63  }
0x40: {  	s14 =	simm.s32 $0x16600  }
0x41: {  	[tilespmem:s14], [sflag:$0x1] =	stream.linear.gather [hbm4b:s26+s3], $0x80, $0x38;
	[tilespmem:$0x17200] =	vst v63  }
0x42: {  	s15 =	simm.s32 $0x16A00  }
0x43: {  	[tilespmem:s15], [sflag:$0x1] =	stream.linear.gather [hbm4b:s28+s3], $0x80, $0x38;
	[tilespmem:$0x17200] =	vst v63  }
0x44: {  	s16 =	simm.s32 $0x16E00  }
0x45: {  	[tilespmem:s16], [sflag:$0x1] =	stream.linear.gather [hbm4b:s29+s3], $0x80, $0x38;
	[tilespmem:$0x17200] =	vst v63  }
0x46: {  	s17 =	simm.s32 $0x16280  }
0x47: {  	[tilespmem:s17], [sflag:$0x1] =	stream.linear.gather [hbm4b:s11+s3], $0x80, $0x38;
	[tilespmem:$0x17200] =	vst v63  }
0x48: {  	s18 =	simm.s32 $0x16680  }
0x49: {  	[tilespmem:s18], [sflag:$0x1] =	stream.linear.gather [hbm4b:s30+s3], $0x80, $0x38;
	[tilespmem:$0x17200] =	vst v63  }
0x4a: {  	s19 =	simm.s32 $0x16A80  }
0x4b: {  	[tilespmem:s19], [sflag:$0x1] =	stream.linear.gather [hbm4b:s31+s3], $0x80, $0x38;
	[tilespmem:$0x17200] =	vst v63  }
0x4c: {  	s20 =	simm.s32 $0x16E80  }
0x4d: {  	[tilespmem:s20], [sflag:$0x1] =	stream.linear.gather [hbm4b:s0+s3], $0x80, $0x38;
	[tilespmem:$0x17200] =	vst v63  }
0x4e: {  	s21 =	rddreg [dreg:$0xb];
	s22 =	simm.s32 $0x17000  }
0x4f: {  	[tilespmem:s22], [sflag:$0x1] =	stream.linear.gather [hbm4b:s21+s3], $0x200, $0x38;
	[tilespmem:$0x17200] =	vst v63  }
0x50: {  	_ =	swait.ge [sflag:s2], $0x6000  }
0x51: {  	[sflag:s2] =	ssyncset.done $0x0  }
0x52: {  	[sflag:s2] =	ssyncadd.s32 $0xFFFFA000  }
0x53: {  	_ =	swait.ge [sflag:s2], $0x200  }
0x54: {  	[sflag:s2] =	ssyncset.done $0x0  }
0x55: {  	[sflag:s2] =	ssyncadd.s32 $0xFFFFFE00  }
0x56: {  	_ =	swait.ge [sflag:s2], $0x200  }
0x57: {  	[sflag:s2] =	ssyncset.done $0x0  }
0x58: {  	[sflag:s2] =	ssyncadd.s32 $0xFFFFFE00  }
0x59: {  	_ =	swait.ge [sflag:s2], $0x200  }
0x5a: {  	[sflag:s2] =	ssyncset.done $0x0  }
0x5b: {  	[sflag:s2] =	ssyncadd.s32 $0xFFFFFE00  }
0x5c: {  	_ =	swait.ge [sflag:s2], $0x200  }
0x5d: {  	[sflag:s2] =	ssyncset.done $0x0  }
0x5e: {  	[sflag:s2] =	ssyncadd.s32 $0xFFFFFE00  }
0x5f: {  	_ =	swait.ge [sflag:s2], $0x200  }
0x60: {  	[sflag:s2] =	ssyncset.done $0x0  }
0x61: {  	[sflag:s2] =	ssyncadd.s32 $0xFFFFFE00  }
0x62: {  	_ =	swait.ge [sflag:s2], $0x200  }
0x63: {  	[sflag:s2] =	ssyncset.done $0x0  }
0x64: {  	[sflag:s2] =	ssyncadd.s32 $0xFFFFFE00  }
0x65: {  	_ =	swait.ge [sflag:s2], $0x200  }
0x66: {  	[sflag:s2] =	ssyncset.done $0x0  }
0x67: {  	[sflag:s2] =	ssyncadd.s32 $0xFFFFFE00  }
0x68: {  	v0 =	vld [tilespmem:$0xC80]  }
0x69: {  	v57 =	vld [tilespmem:$0xC90]  }
0x6a: {  	v58 =	vld [tilespmem:$0xCA0]  }
0x6b: {  	v59 =	vld [tilespmem:$0xCB0]  }
0x6c: {  	v60 =	vld [tilespmem:$0xCC0]  }
0x6d: {  	v61 =	vld [tilespmem:$0xCD0];
	[tilespmem:$0x1FF80] =	vst v0  }
0x6e: {  	v62 =	vld [tilespmem:$0xCE0];
	[tilespmem:$0x1FF90] =	vst v57  }
0x6f: {  	v63 =	vld [tilespmem:$0xCF0];
	[tilespmem:$0x1FFA0] =	vst v58  }
0x70: {  	[tilespmem:$0x1FFB0] =	vst v59  }
0x71: {  	[tilespmem:$0x1FFC0] =	vst v60  }
0x72: {  	[tilespmem:$0x1FFD0] =	vst v61  }
0x73: {  	[tilespmem:$0x1FFE0] =	vst v62  }
0x74: {  	s14 =	simm.s32 $0x0;
	s16 =	simm.s32 $0x6080;
	[tilespmem:$0x1FFF0] =	vst v63  }
.LBB2_2:
0x75: {  	s15 =	sshll.u32 s14, $0x4;
	s13 =	sshll.u32 s14, $0x7  }
0x76: {  	s17 =	sand.u32 $0x70, s15;
	s13 =	sand.u32 $0xC00, s13  }
0x77: {  	s13 =	sor.u32 s17, s13  }
0x78: {  	v0 =	vld [tilespmem:s13+$0x16280];
	_ =	sdelay $0x4  }
0x79: {  	s22 =	simm.s32 $0x0;
	v0 =	vshll.u32 v0, $0x7  }
0x7a: {  	v11 =	vmov s22;
	v17 =	vadd.s32 $0x5000, v0  }
0x7b: {  	v0 =	vperm.xlane v17, v11;
	_ =	sdelay $0x1  }
0x7c: {  	(v2sf) =	vpush v0, $0x0;
	_ =	sdelay $0x7  }
0x7d: {  	v1 =	vld [tilespmem:s13+$0x16200];
	_ =	sdelay $0x4  }
0x7e: {  	v0 =	vshll.u32 v1, $0x7;
	v1 =	vld [tilespmem:s13+$0x16180];
	_ =	sdelay $0x1  }
0x7f: {  	s17 =	spop (v2sf)  }
0x80: {  	v4 =	vld [tilespmem:s17+$0x0];
	_ =	sdelay $0x1  }
0x81: {  	v18 =	vadd.s32 $0x4000, v0;
	v1 =	vshll.u32 v1, $0x7  }
0x82: {  	v0 =	vperm.xlane v18, v11;
	v29 =	vadd.s32 $0x3000, v1  }
0x83: {  	v3 =	vperm.xlane v29, v11  }
0x84: {  	(v2sf) =	vpush v0, $0x0;
	[tilespmem:$0x1FC50] =	vst v4  }
0x85: {  	(v2sf) =	vpush v3, $0x0;
	v3 =	vld [tilespmem:s17+$0x10];
	_ =	sdelay $0x4  }
0x86: {  	[tilespmem:$0x1FC60] =	vst v3  }
0x87: {  	v3 =	vld [tilespmem:s17+$0x20];
	_ =	sdelay $0x4  }
0x88: {  	[tilespmem:$0x1FC70] =	vst v3  }
0x89: {  	v3 =	vld [tilespmem:s17+$0x30];
	_ =	sdelay $0x4  }
0x8a: {  	v1 =	vld [tilespmem:s13+$0x16100];
	[tilespmem:$0x1FC80] =	vst v3  }
0x8b: {  	v3 =	vld [tilespmem:s17+$0x40];
	_ =	sdelay $0x4  }
0x8c: {  	v1 =	vshll.u32 v1, $0x7;
	[tilespmem:$0x1FCA0] =	vst v3  }
0x8d: {  	v25 =	vadd.s32 $0x2000, v1;
	v1 =	vld [tilespmem:s17+$0x50];
	_ =	sdelay $0x4  }
0x8e: {  	[tilespmem:$0x1FCB0] =	vst v1  }
0x8f: {  	v3 =	vld [tilespmem:s17+$0x60];
	_ =	sdelay $0x4  }
0x90: {  	[tilespmem:$0x1FCC0] =	vst v3  }
0x91: {  	v3 =	vld [tilespmem:s17+$0x70];
	_ =	sdelay $0x4  }
0x92: {  	s18 =	spop (v2sf);
	[tilespmem:$0x1FCD0] =	vst v3  }
0x93: {  	v3 =	vld [tilespmem:s18+$0x0];
	_ =	sdelay $0x3  }
0x94: {  	v1 =	vperm.xlane v25, v11  }
0x95: {  	[tilespmem:$0x1FBC0] =	vst v3  }
0x96: {  	(v2sf) =	vpush v1, $0x0;
	v1 =	vld [tilespmem:s18+$0x10];
	_ =	sdelay $0x4  }
0x97: {  	[tilespmem:$0x1FBE0] =	vst v1  }
0x98: {  	v1 =	vld [tilespmem:s18+$0x20];
	_ =	sdelay $0x4  }
0x99: {  	[tilespmem:$0x1FBF0] =	vst v1  }
0x9a: {  	v1 =	vld [tilespmem:s18+$0x30]  }
0x9b: {  	v2 =	vld [tilespmem:s13+$0x16080];
	_ =	sdelay $0x3  }
0x9c: {  	[tilespmem:$0x1FC00] =	vst v1  }
0x9d: {  	v1 =	vshll.u32 v2, $0x7;
	v2 =	vld [tilespmem:s18+$0x40];
	_ =	sdelay $0x4  }
0x9e: {  	[tilespmem:$0x1FC10] =	vst v2  }
0x9f: {  	v7 =	vadd.s32 $0x1000, v1;
	v1 =	vld [tilespmem:s18+$0x50];
	_ =	sdelay $0x4  }
0xa0: {  	[tilespmem:$0x1FC20] =	vst v1  }
0xa1: {  	v2 =	vld [tilespmem:s18+$0x60];
	_ =	sdelay $0x4  }
0xa2: {  	[tilespmem:$0x1FC30] =	vst v2  }
0xa3: {  	v1 =	vperm.xlane v7, v11;
	v2 =	vld [tilespmem:s18+$0x70];
	_ =	sdelay $0x1  }
0xa4: {  	s19 =	spop (v2sf);
	(v2sf) =	vpush v1, $0x0;
	_ =	sdelay $0x2  }
0xa5: {  	v0 =	vld [tilespmem:s13+$0x16000];
	[tilespmem:$0x1FC40] =	vst v2  }
0xa6: {  	v54 =	vld [tilespmem:s19+$0x0]  }
0xa7: {  	v51 =	vld [tilespmem:s19+$0x10]  }
0xa8: {  	v52 =	vld [tilespmem:s19+$0x20]  }
0xa9: {  	v53 =	vld [tilespmem:s19+$0x30]  }
0xaa: {  	v56 =	vld [tilespmem:s19+$0x40]  }
0xab: {  	v12 =	vshll.u32 v0, $0x7;
	v55 =	vld [tilespmem:s19+$0x50]  }
0xac: {  	v0 =	vperm.xlane v12, v11;
	v61 =	vld [tilespmem:s19+$0x60]  }
0xad: {  	s21 =	simm.s32 $0x1;
	s20 =	spop (v2sf);
	v58 =	vld [tilespmem:s19+$0x70]  }
0xae: {  	v14 =	vmov s21;
	(v2sf) =	vpush v0, $0x0;
	v42 =	vld [tilespmem:s20+$0x0]  }
0xaf: {  	v0 =	vperm.xlane v17, v14;
	v40 =	vld [tilespmem:s20+$0x10]  }
0xb0: {  	v41 =	vld [tilespmem:s20+$0x20]  }
0xb1: {  	v44 =	vld [tilespmem:s20+$0x30];
	s22 =	spop (v2sf);
	(v2sf) =	vpush v0, $0x0  }
0xb2: {  	v43 =	vld [tilespmem:s20+$0x40]  }
0xb3: {  	v45 =	vld [tilespmem:s20+$0x50]  }
0xb4: {  	v50 =	vld [tilespmem:s20+$0x60]  }
0xb5: {  	v46 =	vld [tilespmem:s20+$0x70]  }
0xb6: {  	v33 =	vld [tilespmem:s22+$0x0]  }
0xb7: {  	v34 =	vld [tilespmem:s22+$0x10]  }
0xb8: {  	v32 =	vld [tilespmem:s22+$0x20]  }
0xb9: {  	v36 =	vld [tilespmem:s22+$0x30]  }
0xba: {  	v35 =	vld [tilespmem:s22+$0x40]  }
0xbb: {  	v39 =	vld [tilespmem:s22+$0x50]  }
0xbc: {  	v37 =	vld [tilespmem:s22+$0x60]  }
0xbd: {  	v38 =	vld [tilespmem:s22+$0x70];
	s17 =	spop (v2sf)  }
0xbe: {  	v20 =	vld [tilespmem:s17+$0x0]  }
0xbf: {  	v21 =	vld [tilespmem:s17+$0x10]  }
0xc0: {  	v3 =	vld [tilespmem:s17+$0x20];
	s18 =	spop (v2sf)  }
0xc1: {  	v0 =	vld [tilespmem:s18+$0x0]  }
0xc2: {  	v2 =	vld [tilespmem:s17+$0x30]  }
0xc3: {  	v27 =	vld [tilespmem:s17+$0x40]  }
0xc4: {  	v8 =	vld [tilespmem:s17+$0x50]  }
0xc5: {  	v10 =	vld [tilespmem:s17+$0x60]  }
0xc6: {  	v30 =	vld [tilespmem:s17+$0x70];
	[tilespmem:$0x1FEA0] =	vst v0  }
0xc7: {  	v0 =	vld [tilespmem:s18+$0x10];
	_ =	sdelay $0x4  }
0xc8: {  	[tilespmem:$0x1FEC0] =	vst v0  }
0xc9: {  	v0 =	vld [tilespmem:s18+$0x20];
	_ =	sdelay $0x4  }
0xca: {  	[tilespmem:$0x1FEE0] =	vst v0  }
0xcb: {  	v0 =	vld [tilespmem:s18+$0x30];
	_ =	sdelay $0x4  }
0xcc: {  	[tilespmem:$0x1FF00] =	vst v0  }
0xcd: {  	v4 =	vperm.xlane v18, v14;
	v0 =	vld [tilespmem:s18+$0x40];
	_ =	sdelay $0x1  }
0xce: {  	(v2sf) =	vpush v4, $0x0;
	_ =	sdelay $0x2  }
0xcf: {  	[tilespmem:$0x1FF20] =	vst v0  }
0xd0: {  	v0 =	vld [tilespmem:s18+$0x50];
	_ =	sdelay $0x4  }
0xd1: {  	[tilespmem:$0x1FF40] =	vst v0  }
0xd2: {  	v0 =	vld [tilespmem:s18+$0x60];
	_ =	sdelay $0x4  }
0xd3: {  	s19 =	spop (v2sf);
	[tilespmem:$0x1FF60] =	vst v0  }
0xd4: {  	v0 =	vld [tilespmem:s19+$0x0];
	_ =	sdelay $0x4  }
0xd5: {  	v60 =	vld [tilespmem:s18+$0x70];
	[tilespmem:$0x1FE60] =	vst v0  }
0xd6: {  	v0 =	vld [tilespmem:s19+$0x10];
	_ =	sdelay $0x4  }
0xd7: {  	[tilespmem:$0x1FE80] =	vst v0  }
0xd8: {  	v0 =	vld [tilespmem:s19+$0x20];
	_ =	sdelay $0x4  }
0xd9: {  	[tilespmem:$0x1FE90] =	vst v0  }
0xda: {  	v0 =	vld [tilespmem:s19+$0x30];
	_ =	sdelay $0x4  }
0xdb: {  	[tilespmem:$0x1FEB0] =	vst v0  }
0xdc: {  	v4 =	vperm.xlane v29, v14;
	v0 =	vld [tilespmem:s19+$0x40];
	_ =	sdelay $0x1  }
0xdd: {  	(v2sf) =	vpush v4, $0x0;
	_ =	sdelay $0x2  }
0xde: {  	[tilespmem:$0x1FED0] =	vst v0  }
0xdf: {  	v0 =	vld [tilespmem:s19+$0x50];
	_ =	sdelay $0x4  }
0xe0: {  	[tilespmem:$0x1FEF0] =	vst v0  }
0xe1: {  	v0 =	vld [tilespmem:s19+$0x60];
	_ =	sdelay $0x4  }
0xe2: {  	s21 =	spop (v2sf);
	[tilespmem:$0x1FF10] =	vst v0  }
0xe3: {  	v0 =	vld [tilespmem:s21+$0x0];
	_ =	sdelay $0x4  }
0xe4: {  	v57 =	vld [tilespmem:s19+$0x70];
	[tilespmem:$0x1FE00] =	vst v0  }
0xe5: {  	v0 =	vld [tilespmem:s21+$0x10];
	_ =	sdelay $0x4  }
0xe6: {  	[tilespmem:$0x1FE10] =	vst v0  }
0xe7: {  	v0 =	vld [tilespmem:s21+$0x20];
	_ =	sdelay $0x4  }
0xe8: {  	[tilespmem:$0x1FE20] =	vst v0  }
0xe9: {  	v0 =	vld [tilespmem:s21+$0x30];
	_ =	sdelay $0x4  }
0xea: {  	[tilespmem:$0x1FE30] =	vst v0  }
0xeb: {  	v4 =	vperm.xlane v25, v14;
	v0 =	vld [tilespmem:s21+$0x40];
	_ =	sdelay $0x1  }
0xec: {  	(v2sf) =	vpush v4, $0x0;
	_ =	sdelay $0x2  }
0xed: {  	[tilespmem:$0x1FE40] =	vst v0  }
0xee: {  	v0 =	vld [tilespmem:s21+$0x50];
	_ =	sdelay $0x4  }
0xef: {  	[tilespmem:$0x1FE50] =	vst v0  }
0xf0: {  	v0 =	vld [tilespmem:s21+$0x60];
	_ =	sdelay $0x4  }
0xf1: {  	s22 =	spop (v2sf);
	[tilespmem:$0x1FE70] =	vst v0  }
0xf2: {  	v0 =	vld [tilespmem:s22+$0x0];
	_ =	sdelay $0x4  }
0xf3: {  	v47 =	vld [tilespmem:s21+$0x70];
	[tilespmem:$0x1FD80] =	vst v0  }
0xf4: {  	v0 =	vld [tilespmem:s22+$0x10];
	_ =	sdelay $0x4  }
0xf5: {  	[tilespmem:$0x1FDA0] =	vst v0  }
0xf6: {  	v0 =	vld [tilespmem:s22+$0x20];
	_ =	sdelay $0x4  }
0xf7: {  	[tilespmem:$0x1FDB0] =	vst v0  }
0xf8: {  	v0 =	vld [tilespmem:s22+$0x30];
	_ =	sdelay $0x2  }
0xf9: {  	s20 =	simm.s32 $0x2  }
0xfa: {  	v15 =	vmov s20;
	v4 =	vperm.xlane v12, v14  }
0xfb: {  	v9 =	vperm.xlane v17, v15;
	[tilespmem:$0x1FDC0] =	vst v0  }
0xfc: {  	(v2sf) =	vpush v4, $0x0;
	v4 =	vperm.xlane v7, v14;
	v0 =	vld [tilespmem:s22+$0x40]  }
0xfd: {  	(v2sf) =	vpush v9, $0x0  }
0xfe: {  	(v2sf) =	vpush v4, $0x0;
	_ =	sdelay $0x2  }
0xff: {  	[tilespmem:$0x1FDD0] =	vst v0  }
0x100: {  	v0 =	vld [tilespmem:s22+$0x50];
	_ =	sdelay $0x4  }
0x101: {  	[tilespmem:$0x1FDE0] =	vst v0  }
0x102: {  	v0 =	vld [tilespmem:s22+$0x60];
	_ =	sdelay $0x2  }
0x103: {  	s20 =	spop (v2sf)  }
0x104: {  	s18 =	spop (v2sf)  }
0x105: {  	s19 =	spop (v2sf);
	v9 =	vld [tilespmem:s20+$0x70];
	[tilespmem:$0x1FDF0] =	vst v0  }
0x106: {  	v0 =	vld [tilespmem:s19+$0x0];
	_ =	sdelay $0x3  }
0x107: {  	v28 =	vld [tilespmem:s19+$0x70]  }
0x108: {  	v31 =	vld [tilespmem:s22+$0x70];
	[tilespmem:$0x1FCE0] =	vst v0  }
0x109: {  	v0 =	vld [tilespmem:s19+$0x10];
	_ =	sdelay $0x4  }
0x10a: {  	[tilespmem:$0x1FCF0] =	vst v0  }
0x10b: {  	v0 =	vld [tilespmem:s19+$0x20];
	_ =	sdelay $0x4  }
0x10c: {  	[tilespmem:$0x1FD10] =	vst v0  }
0x10d: {  	v0 =	vld [tilespmem:s19+$0x30];
	_ =	sdelay $0x4  }
0x10e: {  	[tilespmem:$0x1FD40] =	vst v0  }
0x10f: {  	v0 =	vld [tilespmem:s19+$0x40];
	_ =	sdelay $0x4  }
0x110: {  	[tilespmem:$0x1FD60] =	vst v0  }
0x111: {  	v0 =	vld [tilespmem:s19+$0x50];
	_ =	sdelay $0x4  }
0x112: {  	[tilespmem:$0x1FD70] =	vst v0  }
0x113: {  	v0 =	vld [tilespmem:s19+$0x60];
	_ =	sdelay $0x4  }
0x114: {  	[tilespmem:$0x1FD90] =	vst v0  }
0x115: {  	v0 =	vld [tilespmem:s20+$0x40];
	_ =	sdelay $0x1  }
0x116: {  	v48 =	vld [tilespmem:s20+$0x0]  }
0x117: {  	v49 =	vld [tilespmem:s20+$0x10]  }
0x118: {  	v63 =	vld [tilespmem:s20+$0x20]  }
0x119: {  	v59 =	vld [tilespmem:s20+$0x30];
	[tilespmem:$0x1FD00] =	vst v0  }
0x11a: {  	v0 =	vld [tilespmem:s20+$0x50];
	_ =	sdelay $0x4  }
0x11b: {  	[tilespmem:$0x1FD20] =	vst v0  }
0x11c: {  	v0 =	vld [tilespmem:s20+$0x60];
	_ =	sdelay $0x4  }
0x11d: {  	[tilespmem:$0x1FD50] =	vst v0  }
0x11e: {  	v0 =	vld [tilespmem:s18+$0x0];
	_ =	sdelay $0x4  }
0x11f: {  	[tilespmem:$0x1FAB0] =	vst v0  }
0x120: {  	v0 =	vld [tilespmem:s18+$0x10];
	_ =	sdelay $0x4  }
0x121: {  	[tilespmem:$0x1FAC0] =	vst v0  }
0x122: {  	v1 =	vld [tilespmem:s18+$0x20];
	_ =	sdelay $0x2  }
0x123: {  	v24 =	vld [tilespmem:s15+$0x17000];
	v13 =	vperm.xlane v18, v15;
	_ =	sdelay $0x1  }
0x124: {  	(v2sf) =	vpush v13, $0x0;
	v13 =	vld [tilespmem:$0x1FF90];
	[tilespmem:$0x1FAD0] =	vst v1  }
0x125: {  	v4 =	vld [tilespmem:s18+$0x30];
	_ =	sdelay $0x1  }
0x126: {  	v11 =	vperm.xlane v24, v11;
	_ =	sdelay $0x1  }
0x127: {  	v0 =	vmul.f32 v11, v13  }
0x128: {  	v22 =	vld [tilespmem:$0x1FFA0];
	[tilespmem:$0x1FAE0] =	vst v4  }
0x129: {  	v6 =	vadd.f32 v21, v0;
	v0 =	vld [tilespmem:s18+$0x40];
	_ =	sdelay $0x3  }
0x12a: {  	v1 =	vmul.f32 v11, v22  }
0x12b: {  	v19 =	vperm.xlane v29, v15;
	[tilespmem:$0x1FAF0] =	vst v0  }
0x12c: {  	v5 =	vadd.f32 v3, v1;
	v3 =	vld [tilespmem:s18+$0x50]  }
0x12d: {  	(v2sf) =	vpush v19, $0x0;
	v19 =	vld [tilespmem:$0x1FF80];
	_ =	sdelay $0x1  }
0x12e: {  	v21 =	vld [tilespmem:$0x1FFB0];
	_ =	sdelay $0x1  }
0x12f: {  	[tilespmem:$0x1FB00] =	vst v3  }
0x130: {  	v23 =	vmul.f32 v11, v19;
	v62 =	vld [tilespmem:s18+$0x60];
	_ =	sdelay $0x1  }
0x131: {  	v16 =	vld [tilespmem:$0x1FFD0];
	v26 =	vadd.f32 v20, v23;
	v20 =	vmul.f32 v11, v21  }
0x132: {  	v23 =	vld [tilespmem:$0x1FFC0]  }
0x133: {  	v4 =	vadd.f32 v2, v20;
	v20 =	vld [tilespmem:$0x1FFE0]  }
0x134: {  	[tilespmem:$0x1FB10] =	vst v62;
	v62 =	vld [tilespmem:$0x1FFF0];
	_ =	sdelay $0x2  }
0x135: {  	v1 =	vmul.f32 v11, v16  }
0x136: {  	v2 =	vmul.f32 v11, v20  }
0x137: {  	v1 =	vadd.f32 v8, v1;
	v0 =	vmul.f32 v11, v23;
	v8 =	vmul.f32 v11, v62;
	v11 =	vld [tilespmem:s18+$0x70];
	_ =	sdelay $0x3  }
0x138: {  	v3 =	vperm.xlane v25, v15  }
0x139: {  	s21 =	spop (v2sf);
	[tilespmem:$0x1FB20] =	vst v11  }
0x13a: {  	(v2sf) =	vpush v3, $0x0;
	v3 =	vld [tilespmem:s21+$0x0];
	_ =	sdelay $0x4  }
0x13b: {  	[tilespmem:$0x1FB30] =	vst v3  }
0x13c: {  	v2 =	vadd.f32 v10, v2;
	v10 =	vld [tilespmem:s21+$0x10];
	_ =	sdelay $0x4  }
0x13d: {  	[tilespmem:$0x1FB40] =	vst v10  }
0x13e: {  	v10 =	vld [tilespmem:s21+$0x30];
	_ =	sdelay $0x4  }
0x13f: {  	v3 =	vadd.f32 v30, v8;
	v30 =	vld [tilespmem:s21+$0x20];
	[tilespmem:$0x1FB50] =	vst v10  }
0x140: {  	v10 =	vld [tilespmem:s21+$0x40];
	_ =	sdelay $0x4  }
0x141: {  	[tilespmem:$0x1FB60] =	vst v10  }
0x142: {  	v10 =	vld [tilespmem:s21+$0x50];
	_ =	sdelay $0x4  }
0x143: {  	[tilespmem:$0x1FB70] =	vst v10;
	v10 =	vperm.xlane v7, v15;
	_ =	sdelay $0x1  }
0x144: {  	s22 =	spop (v2sf);
	(v2sf) =	vpush v10, $0x0;
	v10 =	vperm.xlane v24, v14;
	_ =	sdelay $0x1  }
0x145: {  	v11 =	vmul.f32 v10, v62  }
0x146: {  	v8 =	vadd.f32 v33, v26  }
0x147: {  	v62 =	vadd.f32 v9, v11;
	v9 =	vld [tilespmem:$0x1FBC0]  }
0x148: {  	v8 =	vadd.f32 v42, v8;
	_ =	sdelay $0x1  }
0x149: {  	v8 =	vadd.f32 v54, v8  }
0x14a: {  	v6 =	vadd.f32 v34, v6  }
0x14b: {  	v8 =	vadd.f32 v9, v8;
	v9 =	vld [tilespmem:$0x1FBE0]  }
0x14c: {  	v6 =	vadd.f32 v40, v6;
	_ =	sdelay $0x1  }
0x14d: {  	v6 =	vadd.f32 v51, v6  }
0x14e: {  	v5 =	vadd.f32 v32, v5  }
0x14f: {  	v6 =	vadd.f32 v9, v6;
	v9 =	vld [tilespmem:$0x1FBF0]  }
0x150: {  	v5 =	vadd.f32 v41, v5;
	_ =	sdelay $0x1  }
0x151: {  	v5 =	vadd.f32 v52, v5  }
0x152: {  	v4 =	vadd.f32 v36, v4  }
0x153: {  	v5 =	vadd.f32 v9, v5;
	v9 =	vld [tilespmem:$0x1FC00]  }
0x154: {  	v4 =	vadd.f32 v44, v4  }
0x155: {  	v0 =	vadd.f32 v27, v0;
	[tilespmem:$0x1FB80] =	vst v7  }
0x156: {  	v4 =	vadd.f32 v53, v4;
	v42 =	vld [tilespmem:s21+$0x60]  }
0x157: {  	v0 =	vadd.f32 v35, v0  }
0x158: {  	v4 =	vadd.f32 v9, v4;
	v9 =	vld [tilespmem:$0x1FC10]  }
0x159: {  	v0 =	vadd.f32 v43, v0;
	_ =	sdelay $0x1  }
0x15a: {  	v0 =	vadd.f32 v56, v0;
	[tilespmem:$0x1FB90] =	vst v42  }
0x15b: {  	v1 =	vadd.f32 v39, v1;
	v7 =	vld [tilespmem:s21+$0x70]  }
0x15c: {  	v0 =	vadd.f32 v9, v0;
	v9 =	vld [tilespmem:$0x1FC20]  }
0x15d: {  	v1 =	vadd.f32 v45, v1  }
0x15e: {  	v11 =	vperm.xlane v12, v15  }
0x15f: {  	v1 =	vadd.f32 v55, v1;
	v14 =	vld [tilespmem:$0x1FCF0]  }
0x160: {  	v2 =	vadd.f32 v37, v2;
	s18 =	spop (v2sf);
	(v2sf) =	vpush v11, $0x0;
	v11 =	vld [tilespmem:$0x1FCA0]  }
0x161: {  	[tilespmem:$0x1FBA0] =	vst v7;
	v1 =	vadd.f32 v9, v1;
	v9 =	vld [tilespmem:$0x1FC30]  }
0x162: {  	v2 =	vadd.f32 v50, v2;
	v39 =	vld [tilespmem:s22+$0x0];
	[tilespmem:$0x1FBB0] =	vst v24  }
0x163: {  	v40 =	vld [tilespmem:s22+$0x10]  }
0x164: {  	v2 =	vadd.f32 v61, v2;
	v41 =	vld [tilespmem:s22+$0x20]  }
0x165: {  	v3 =	vadd.f32 v38, v3;
	v43 =	vld [tilespmem:s22+$0x30]  }
0x166: {  	v2 =	vadd.f32 v9, v2;
	v9 =	vld [tilespmem:$0x1FC40]  }
0x167: {  	v3 =	vadd.f32 v46, v3;
	v42 =	vld [tilespmem:s22+$0x40]  }
0x168: {  	v44 =	vld [tilespmem:s22+$0x50]  }
0x169: {  	v3 =	vadd.f32 v58, v3;
	[tilespmem:$0x1FBD0] =	vst v12;
	v12 =	vld [tilespmem:$0x1FCE0]  }
0x16a: {  	v32 =	vadd.f32 v11, v0;
	v0 =	vld [tilespmem:$0x1FCB0]  }
0x16b: {  	v7 =	vadd.f32 v28, v62;
	v3 =	vadd.f32 v9, v3;
	v9 =	vld [tilespmem:$0x1FC50]  }
0x16c: {  	v46 =	vld [tilespmem:s22+$0x60]  }
0x16d: {  	v7 =	vadd.f32 v31, v7;
	v45 =	vld [tilespmem:s22+$0x70]  }
0x16e: {  	v51 =	vld [tilespmem:s18+$0x0]  }
0x16f: {  	v7 =	vadd.f32 v47, v7;
	v47 =	vadd.f32 v0, v1;
	v1 =	vld [tilespmem:$0x1FCC0]  }
0x170: {  	v8 =	vadd.f32 v9, v8;
	v9 =	vld [tilespmem:$0x1FC60]  }
0x171: {  	v52 =	vld [tilespmem:s18+$0x10]  }
0x172: {  	v53 =	vld [tilespmem:s18+$0x20]  }
0x173: {  	v54 =	vld [tilespmem:s18+$0x30]  }
0x174: {  	v55 =	vld [tilespmem:s18+$0x40]  }
0x175: {  	v34 =	vadd.f32 v1, v2;
	v1 =	vmul.f32 v10, v13;
	v6 =	vadd.f32 v9, v6;
	v9 =	vld [tilespmem:$0x1FC70]  }
0x176: {  	v56 =	vld [tilespmem:s18+$0x50]  }
0x177: {  	v7 =	vadd.f32 v57, v7;
	v57 =	vld [tilespmem:s18+$0x60];
	[tilespmem:$0x1FC90] =	vst v17;
	v1 =	vadd.f32 v49, v1  }
0x178: {  	v58 =	vld [tilespmem:s18+$0x70]  }
0x179: {  	v13 =	vmul.f32 v10, v16;
	v16 =	vadd.f32 v14, v1;
	v14 =	vld [tilespmem:$0x1FD10]  }
0x17a: {  	s20 =	spop (v2sf);
	v5 =	vadd.f32 v9, v5;
	v9 =	vld [tilespmem:$0x1FC80]  }
0x17b: {  	v61 =	vld [tilespmem:s20+$0x10];
	v2 =	vmul.f32 v10, v22  }
0x17c: {  	v62 =	vld [tilespmem:s20+$0x20];
	v0 =	vmul.f32 v10, v19  }
0x17d: {  	s19 =	simm.s32 $0x3;
	v7 =	vadd.f32 v60, v7;
	v60 =	vld [tilespmem:s20+$0x0];
	v2 =	vadd.f32 v63, v2  }
0x17e: {  	v50 =	vmov s19;
	v0 =	vadd.f32 v48, v0;
	v1 =	vld [tilespmem:$0x1FD00]  }
0x17f: {  	v4 =	vadd.f32 v9, v4;
	v9 =	vperm.xlane v17, v50;
	v17 =	vadd.f32 v14, v2;
	v2 =	vld [tilespmem:$0x1FD20]  }
0x180: {  	v12 =	vadd.f32 v12, v0;
	v0 =	vld [tilespmem:s20+$0x40]  }
0x181: {  	v11 =	vmul.f32 v10, v23;
	(v2sf) =	vpush v9, $0x0;
	v9 =	vld [tilespmem:$0x1FCD0]  }
0x182: {  	v63 =	vld [tilespmem:s20+$0x30]  }
0x183: {  	v11 =	vadd.f32 v1, v11;
	v1 =	vld [tilespmem:s20+$0x50]  }
0x184: {  	v13 =	vadd.f32 v2, v13;
	v2 =	vld [tilespmem:s20+$0x60]  }
0x185: {  	v14 =	vperm.xlane v18, v50;
	[tilespmem:$0x1FD30] =	vst v18;
	v18 =	vld [tilespmem:$0x1FD40]  }
0x186: {  	v9 =	vadd.f32 v9, v3;
	v3 =	vmul.f32 v10, v21;
	_ =	sdelay $0x1  }
0x187: {  	v3 =	vadd.f32 v59, v3;
	_ =	sdelay $0x1  }
0x188: {  	v18 =	vadd.f32 v18, v3;
	v3 =	vld [tilespmem:$0x1FD50];
	_ =	sdelay $0x2  }
0x189: {  	v10 =	vmul.f32 v10, v20;
	_ =	sdelay $0x1  }
0x18a: {  	v23 =	vadd.f32 v3, v10;
	v10 =	vld [tilespmem:$0x1FD60];
	_ =	sdelay $0x4  }
0x18b: {  	v24 =	vadd.f32 v10, v11;
	v11 =	vld [tilespmem:$0x1FD70];
	_ =	sdelay $0x4  }
0x18c: {  	v26 =	vadd.f32 v11, v13;
	v11 =	vld [tilespmem:$0x1FD80];
	_ =	sdelay $0x4  }
0x18d: {  	v27 =	vadd.f32 v11, v12;
	v11 =	vld [tilespmem:$0x1FD90];
	_ =	sdelay $0x4  }
0x18e: {  	v33 =	vadd.f32 v11, v23;
	v11 =	vld [tilespmem:$0x1FDA0];
	[tilespmem:s16+$0x70] =	vst v7  }
0x18f: {  	v12 =	vld [tilespmem:$0x1FDC0];
	_ =	sdelay $0x2  }
0x190: {  	v7 =	vld [tilespmem:$0x1FDB0];
	[tilespmem:s16+$0xFFFFFF80] =	vst v8  }
0x191: {  	v8 =	vld [tilespmem:$0x1FDD0]  }
0x192: {  	v18 =	vadd.f32 v12, v18;
	v12 =	vld [tilespmem:$0x1FDE0];
	[tilespmem:s16+$0xFFFFFF90] =	vst v6  }
0x193: {  	v6 =	vld [tilespmem:$0x1FDF0]  }
0x194: {  	v48 =	vadd.f32 v11, v16;
	v16 =	vld [tilespmem:$0x1FE00];
	[tilespmem:s16+$0xFFFFFFA0] =	vst v5  }
0x195: {  	v5 =	vld [tilespmem:$0x1FE10]  }
0x196: {  	v7 =	vadd.f32 v7, v17;
	v17 =	vld [tilespmem:$0x1FE20];
	[tilespmem:s16+$0xFFFFFFB0] =	vst v4  }
0x197: {  	v4 =	vld [tilespmem:$0x1FE30];
	_ =	sdelay $0x4  }
0x198: {  	v4 =	vadd.f32 v4, v18;
	v18 =	vld [tilespmem:$0x1FE40];
	[tilespmem:s16+$0xFFFFFFC0] =	vst v32  }
0x199: {  	v19 =	vld [tilespmem:$0x1FE50];
	_ =	sdelay $0x2  }
0x19a: {  	v49 =	vadd.f32 v12, v26;
	_ =	sdelay $0x1  }
0x19b: {  	v21 =	vadd.f32 v19, v49;
	v19 =	vld [tilespmem:$0x1FE60];
	_ =	sdelay $0x2  }
0x19c: {  	v59 =	vadd.f32 v16, v27  }
0x19d: {  	[tilespmem:s16+$0xFFFFFFD0] =	vst v47  }
0x19e: {  	v22 =	vadd.f32 v19, v59;
	v19 =	vld [tilespmem:$0x1FE70];
	_ =	sdelay $0x2  }
0x19f: {  	v6 =	vadd.f32 v6, v33;
	_ =	sdelay $0x1  }
0x1a0: {  	v6 =	vadd.f32 v19, v6;
	v19 =	vld [tilespmem:$0x1FE80];
	_ =	sdelay $0x2  }
0x1a1: {  	v5 =	vadd.f32 v5, v48  }
0x1a2: {  	[tilespmem:s16+$0xFFFFFFE0] =	vst v34  }
0x1a3: {  	v5 =	vadd.f32 v19, v5;
	v19 =	vld [tilespmem:$0x1FE90];
	_ =	sdelay $0x2  }
0x1a4: {  	v7 =	vadd.f32 v17, v7;
	_ =	sdelay $0x1  }
0x1a5: {  	v7 =	vadd.f32 v19, v7;
	v19 =	vld [tilespmem:$0x1FEA0];
	[tilespmem:s16+$0xFFFFFFF0] =	vst v9  }
0x1a6: {  	v9 =	vld [tilespmem:$0x1FEB0];
	_ =	sdelay $0x1  }
0x1a7: {  	s21 =	spop (v2sf)  }
0x1a8: {  	(v2sf) =	vpush v14, $0x0;
	v14 =	vld [tilespmem:s21+$0x10]  }
0x1a9: {  	v3 =	vld [tilespmem:s20+$0x70]  }
0x1aa: {  	s22 =	spop (v2sf);
	v4 =	vadd.f32 v9, v4;
	v9 =	vld [tilespmem:$0x1FEC0]  }
0x1ab: {  	v38 =	vld [tilespmem:s22+$0x10]  }
0x1ac: {  	v35 =	vld [tilespmem:s22+$0x30]  }
0x1ad: {  	v36 =	vld [tilespmem:s22+$0x40]  }
0x1ae: {  	v37 =	vld [tilespmem:s22+$0x50]  }
0x1af: {  	v5 =	vadd.f32 v9, v5;
	v9 =	vld [tilespmem:$0x1FED0]  }
0x1b0: {  	v10 =	vld [tilespmem:s21+$0x0];
	v8 =	vadd.f32 v8, v24  }
0x1b1: {  	v13 =	vld [tilespmem:s21+$0x30]  }
0x1b2: {  	v11 =	vld [tilespmem:s21+$0x20];
	v8 =	vadd.f32 v18, v8  }
0x1b3: {  	v12 =	vld [tilespmem:s21+$0x40]  }
0x1b4: {  	v8 =	vadd.f32 v9, v8;
	v9 =	vld [tilespmem:$0x1FEE0]  }
0x1b5: {  	v26 =	vld [tilespmem:s22+$0x60];
	v23 =	vadd.f32 v19, v22  }
0x1b6: {  	v16 =	vld [tilespmem:s21+$0x50]  }
0x1b7: {  	v33 =	vld [tilespmem:s22+$0x0];
	[tilespmem:s16+$0x0] =	vst v23  }
0x1b8: {  	v19 =	vld [tilespmem:$0x1FF00]  }
0x1b9: {  	v7 =	vadd.f32 v9, v7;
	v9 =	vld [tilespmem:$0x1FEF0];
	[tilespmem:s16+$0x10] =	vst v5  }
0x1ba: {  	v5 =	vld [tilespmem:$0x1FF10]  }
0x1bb: {  	v24 =	vld [tilespmem:$0x1FF20]  }
0x1bc: {  	v17 =	vld [tilespmem:s21+$0x60]  }
0x1bd: {  	v18 =	vld [tilespmem:s21+$0x70];
	v4 =	vadd.f32 v19, v4;
	[tilespmem:s16+$0x20] =	vst v7  }
0x1be: {  	v34 =	vld [tilespmem:s22+$0x20];
	[tilespmem:$0x1FF30] =	vst v26  }
0x1bf: {  	v27 =	vld [tilespmem:$0x1FF40];
	[tilespmem:s16+$0x30] =	vst v4  }
0x1c0: {  	v5 =	vadd.f32 v5, v6;
	v6 =	vadd.f32 v24, v8;
	v8 =	vld [tilespmem:$0x1FF60];
	_ =	sdelay $0x1  }
0x1c1: {  	v9 =	vadd.f32 v9, v21;
	[tilespmem:$0x1FF50] =	vst v29  }
0x1c2: {  	[tilespmem:s16+$0x40] =	vst v6  }
0x1c3: {  	s19 =	spop (v2sf);
	v4 =	vperm.xlane v29, v50;
	v59 =	vld [tilespmem:s22+$0x70];
	v7 =	vadd.f32 v27, v9;
	[tilespmem:$0x1FF70] =	vst v25  }
0x1c4: {  	v32 =	vperm.xlane v25, v50;
	v47 =	vld [tilespmem:s19+$0x0];
	v5 =	vadd.f32 v8, v5  }
0x1c5: {  	(v2sf) =	vpush v4, $0x0;
	[tilespmem:s16+$0x50] =	vst v7;
	v48 =	vld [tilespmem:s19+$0x10]  }
0x1c6: {  	s13 =	smov.u32 s16;
	s17 =	simm.s32 $0x4;
	(v2sf) =	vpush v32, $0x0;
	v49 =	vld [tilespmem:s19+$0x20];
	[tilespmem:s16+$0x60] =	vst v5  }
.LBB2_3:
0x1c7: {  	v4 =	vld [tilespmem:s19+$0x30];
	_ =	sdelay $0x4  }
0x1c8: {  	[tilespmem:$0x1FA20] =	vst v4;
	v4 =	vld [tilespmem:s19+$0x40]  }
0x1c9: {  	v28 =	vld [tilespmem:$0x1FF80]  }
0x1ca: {  	v29 =	vld [tilespmem:$0x1FF90]  }
0x1cb: {  	v31 =	vld [tilespmem:$0x1FFB0]  }
0x1cc: {  	v5 =	vld [tilespmem:$0x1FFD0]  }
0x1cd: {  	[tilespmem:$0x1FA30] =	vst v4;
	v4 =	vld [tilespmem:s19+$0x50]  }
0x1ce: {  	[tilespmem:$0x1FA60] =	vst v38;
	v38 =	vld [tilespmem:$0x1FBD0]  }
0x1cf: {  	[tilespmem:$0x1FA80] =	vst v35;
	v35 =	vld [tilespmem:$0x1FC90]  }
0x1d0: {  	[tilespmem:$0x1FA70] =	vst v34;
	v34 =	vld [tilespmem:$0x1FBB0]  }
0x1d1: {  	[tilespmem:$0x1FAA0] =	vst v37;
	v37 =	vld [tilespmem:$0x1FB80]  }
0x1d2: {  	[tilespmem:$0x1FA40] =	vst v4;
	v4 =	vld [tilespmem:s19+$0x60]  }
0x1d3: {  	v7 =	vmov s17;
	[tilespmem:$0x1FA90] =	vst v36;
	v36 =	vld [tilespmem:$0x1FD30]  }
0x1d4: {  	v6 =	vmov v30;
	v30 =	vld [tilespmem:$0x1FFA0]  }
0x1d5: {  	v32 =	vld [tilespmem:$0x1FFE0];
	v8 =	vperm.xlane v38, v50  }
0x1d6: {  	v9 =	vperm.xlane v35, v7;
	v19 =	vperm.xlane v34, v15;
	v15 =	vmovc v7;
	v7 =	vmov v33;
	v33 =	vld [tilespmem:$0x1FFF0]  }
0x1d7: {  	v21 =	vperm.xlane v37, v50;
	[tilespmem:$0x1FA50] =	vst v4;
	v4 =	vld [tilespmem:$0x1FFC0]  }
0x1d8: {  	v20 =	vperm.xlane v36, v15;
	(v2sf) =	vpush v8, $0x0;
	v22 =	vmul.f32 v19, v28  }
0x1d9: {  	v23 =	vmul.f32 v19, v29;
	v25 =	vmul.f32 v19, v30;
	(v2sf) =	vpush v9, $0x0  }
0x1da: {  	s18 =	spop (v2sf);
	v26 =	vmul.f32 v19, v31;
	v27 =	vmul.f32 v19, v32;
	(v2sf) =	vpush v21, $0x0  }
0x1db: {  	v21 =	vmul.f32 v19, v5;
	v14 =	vadd.f32 v14, v23;
	v23 =	vadd.f32 v11, v25  }
0x1dc: {  	(v2sf) =	vpush v20, $0x0;
	v20 =	vmul.f32 v19, v4;
	v19 =	vmul.f32 v19, v33  }
0x1dd: {  	v22 =	vadd.f32 v10, v22  }
0x1de: {  	v62 =	vadd.f32 v62, v23;
	v18 =	vadd.f32 v18, v19  }
0x1df: {  	v61 =	vadd.f32 v61, v14;
	v19 =	vadd.f32 v60, v22  }
0x1e0: {  	v53 =	vadd.f32 v53, v62;
	v3 =	vadd.f32 v3, v18  }
0x1e1: {  	v18 =	vadd.f32 v51, v19;
	v19 =	vadd.f32 v52, v61;
	v61 =	vperm.xlane v34, v50;
	_ =	sdelay $0x1  }
0x1e2: {  	v16 =	vadd.f32 v16, v21;
	v21 =	vadd.f32 v41, v53;
	v53 =	vmul.f32 v61, v4;
	v4 =	vld [tilespmem:$0x1FB30];
	_ =	sdelay $0x2  }
0x1e3: {  	v18 =	vadd.f32 v39, v18;
	_ =	sdelay $0x1  }
0x1e4: {  	v18 =	vadd.f32 v4, v18;
	v4 =	vld [tilespmem:$0x1FB40];
	_ =	sdelay $0x1  }
0x1e5: {  	v25 =	vadd.f32 v13, v26  }
0x1e6: {  	v19 =	vadd.f32 v40, v19  }
0x1e7: {  	v63 =	vadd.f32 v63, v25  }
0x1e8: {  	v19 =	vadd.f32 v4, v19;
	v4 =	vld [tilespmem:$0x1FB50]  }
0x1e9: {  	v54 =	vadd.f32 v54, v63  }
0x1ea: {  	v20 =	vadd.f32 v12, v20  }
0x1eb: {  	v22 =	vadd.f32 v43, v54  }
0x1ec: {  	v0 =	vadd.f32 v0, v20  }
0x1ed: {  	v22 =	vadd.f32 v4, v22;
	v4 =	vld [tilespmem:$0x1FB60]  }
0x1ee: {  	v0 =	vadd.f32 v55, v0;
	_ =	sdelay $0x1  }
0x1ef: {  	v0 =	vadd.f32 v42, v0  }
0x1f0: {  	v1 =	vadd.f32 v1, v16  }
0x1f1: {  	v0 =	vadd.f32 v4, v0;
	v4 =	vld [tilespmem:$0x1FB70]  }
0x1f2: {  	v1 =	vadd.f32 v56, v1  }
0x1f3: {  	v17 =	vadd.f32 v17, v27  }
0x1f4: {  	v1 =	vadd.f32 v44, v1  }
0x1f5: {  	v2 =	vadd.f32 v2, v17  }
0x1f6: {  	v1 =	vadd.f32 v4, v1;
	v4 =	vld [tilespmem:$0x1FB90]  }
0x1f7: {  	v2 =	vadd.f32 v57, v2;
	_ =	sdelay $0x1  }
0x1f8: {  	v2 =	vadd.f32 v46, v2;
	_ =	sdelay $0x1  }
0x1f9: {  	v2 =	vadd.f32 v4, v2;
	v4 =	vld [tilespmem:$0x1FBA0]  }
0x1fa: {  	v3 =	vadd.f32 v58, v3;
	_ =	sdelay $0x1  }
0x1fb: {  	v3 =	vadd.f32 v45, v3;
	_ =	sdelay $0x1  }
0x1fc: {  	v3 =	vadd.f32 v4, v3;
	v4 =	vld [tilespmem:$0x1FAB0];
	_ =	sdelay $0x4  }
0x1fd: {  	v18 =	vadd.f32 v4, v18;
	v4 =	vld [tilespmem:$0x1FAC0];
	_ =	sdelay $0x4  }
0x1fe: {  	v19 =	vadd.f32 v4, v19;
	v4 =	vld [tilespmem:$0x1FAD0]  }
0x1ff: {  	v24 =	vld [tilespmem:s19+$0x70]  }
0x200: {  	v8 =	vld [tilespmem:s18+$0x0]  }
0x201: {  	v9 =	vld [tilespmem:s18+$0x10];
	v21 =	vadd.f32 v6, v21  }
0x202: {  	v10 =	vld [tilespmem:s18+$0x20]  }
0x203: {  	v21 =	vadd.f32 v4, v21;
	v4 =	vld [tilespmem:$0x1FAE0]  }
0x204: {  	v11 =	vld [tilespmem:s18+$0x30]  }
0x205: {  	v14 =	vld [tilespmem:s18+$0x60]  }
0x206: {  	s21 =	spop (v2sf);
	v25 =	vld [tilespmem:s18+$0x70]  }
0x207: {  	v17 =	vld [tilespmem:s21+$0x10]  }
0x208: {  	v22 =	vadd.f32 v4, v22;
	v4 =	vld [tilespmem:$0x1FAF0]  }
0x209: {  	v23 =	vld [tilespmem:s21+$0x30]  }
0x20a: {  	v26 =	vld [tilespmem:s21+$0x40]  }
0x20b: {  	v16 =	vld [tilespmem:s21+$0x0];
	s20 =	spop (v2sf)  }
0x20c: {  	s19 =	spop (v2sf);
	v60 =	vld [tilespmem:s20+$0x70]  }
0x20d: {  	s22 =	spop (v2sf);
	v0 =	vadd.f32 v4, v0;
	v4 =	vld [tilespmem:$0x1FB00]  }
0x20e: {  	v62 =	vld [tilespmem:s22+$0x70]  }
0x20f: {  	v51 =	vld [tilespmem:s22+$0x0]  }
0x210: {  	v44 =	vld [tilespmem:s22+$0x10];
	v63 =	vmul.f32 v61, v33  }
0x211: {  	v33 =	vld [tilespmem:s21+$0x70]  }
0x212: {  	v39 =	vadd.f32 v60, v63;
	v1 =	vadd.f32 v4, v1;
	v4 =	vld [tilespmem:$0x1FB10]  }
0x213: {  	v60 =	vld [tilespmem:s20+$0x10]  }
0x214: {  	v39 =	vadd.f32 v62, v39;
	v62 =	vld [tilespmem:s20+$0x30]  }
0x215: {  	v56 =	vld [tilespmem:s22+$0x30]  }
0x216: {  	v52 =	vmul.f32 v61, v31;
	v31 =	vld [tilespmem:s20+$0x0];
	v39 =	vadd.f32 v33, v39  }
0x217: {  	v43 =	vmul.f32 v61, v28;
	v34 =	vmul.f32 v61, v29;
	v2 =	vadd.f32 v4, v2;
	v4 =	vld [tilespmem:$0x1FB20]  }
0x218: {  	s13 =	sadd.s32 $0x100, s13;
	v50 =	vmul.f32 v61, v30;
	v54 =	vmul.f32 v61, v5;
	v55 =	vld [tilespmem:s22+$0x20];
	v25 =	vadd.f32 v25, v39  }
0x219: {  	v40 =	vmul.f32 v61, v32;
	v61 =	vld [tilespmem:s20+$0x20];
	v39 =	vadd.f32 v60, v34;
	[tilespmem:s13+$0xFFFFFF90] =	vst v19;
	v19 =	vadd.f32 v62, v52  }
0x21a: {  	v63 =	vld [tilespmem:s20+$0x40]  }
0x21b: {  	v34 =	vld [tilespmem:s20+$0x60];
	v52 =	vadd.f32 v44, v39;
	v19 =	vadd.f32 v56, v19  }
0x21c: {  	v31 =	vadd.f32 v31, v43;
	v3 =	vadd.f32 v4, v3;
	v4 =	vld [tilespmem:$0x1FA20]  }
0x21d: {  	v30 =	vld [tilespmem:s22+$0x60];
	[tilespmem:s13+$0xFFFFFFE0] =	vst v2;
	v2 =	vadd.f32 v17, v52;
	v17 =	vadd.f32 v23, v19  }
0x21e: {  	v28 =	vld [tilespmem:s22+$0x40];
	v51 =	vadd.f32 v51, v31  }
0x21f: {  	v41 =	vld [tilespmem:s21+$0x60];
	v2 =	vadd.f32 v9, v2;
	v9 =	vadd.f32 v11, v17  }
0x220: {  	v20 =	vld [tilespmem:s21+$0x20];
	v53 =	vadd.f32 v63, v53;
	[tilespmem:s13+$0xFFFFFFC0] =	vst v0;
	v0 =	vadd.f32 v34, v40  }
0x221: {  	[tilespmem:s13+$0xFFFFFF80] =	vst v18;
	v18 =	vadd.f32 v61, v50;
	v4 =	vadd.f32 v4, v9;
	v9 =	vld [tilespmem:$0x1FA80]  }
0x222: {  	v12 =	vld [tilespmem:s18+$0x40];
	v16 =	vadd.f32 v16, v51;
	v0 =	vadd.f32 v30, v0  }
0x223: {  	v57 =	vld [tilespmem:$0x1FA50];
	v18 =	vadd.f32 v55, v18;
	[tilespmem:s13+$0xFFFFFFA0] =	vst v21;
	v21 =	vadd.f32 v28, v53  }
0x224: {  	v5 =	vld [tilespmem:$0x1FA30];
	v8 =	vadd.f32 v8, v16;
	v0 =	vadd.f32 v41, v0  }
0x225: {  	v63 =	vld [tilespmem:$0x1FF30];
	[tilespmem:s13+$0xFFFFFFF0] =	vst v3;
	v3 =	vadd.f32 v20, v18;
	v18 =	vadd.f32 v26, v21  }
0x226: {  	v0 =	vadd.f32 v14, v0;
	v4 =	vadd.f32 v9, v4;
	v9 =	vld [tilespmem:$0x1FA90]  }
0x227: {  	v33 =	vld [tilespmem:s20+$0x50];
	v3 =	vadd.f32 v10, v3;
	v10 =	vadd.f32 v12, v18  }
0x228: {  	v13 =	vld [tilespmem:s18+$0x50];
	v0 =	vadd.f32 v57, v0  }
0x229: {  	v29 =	vld [tilespmem:s22+$0x50];
	v8 =	vadd.f32 v47, v8;
	v5 =	vadd.f32 v5, v10  }
0x22a: {  	v27 =	vld [tilespmem:s21+$0x50];
	[tilespmem:s13+$0xFFFFFFB0] =	vst v22;
	v0 =	vadd.f32 v63, v0  }
0x22b: {  	v58 =	vadd.f32 v7, v8;
	v8 =	vld [tilespmem:$0x1FF50];
	[tilespmem:s13+$0xFFFFFFD0] =	vst v1;
	v5 =	vadd.f32 v9, v5  }
0x22c: {  	v55 =	vadd.f32 v33, v54;
	[tilespmem:s13+$0x60] =	vst v0;
	v0 =	vld [tilespmem:s19+$0x50]  }
0x22d: {  	[tilespmem:s13+$0x40] =	vst v5;
	v5 =	vld [tilespmem:$0x1FF70]  }
0x22e: {  	v1 =	vadd.f32 v29, v55  }
0x22f: {  	v56 =	vld [tilespmem:$0x1FA40]  }
0x230: {  	v1 =	vadd.f32 v27, v1  }
0x231: {  	v61 =	vperm.xlane v8, v15;
	v62 =	vld [tilespmem:$0x1FAA0]  }
0x232: {  	v1 =	vadd.f32 v13, v1;
	[tilespmem:$0x1FB00] =	vst v0;
	v0 =	vperm.xlane v5, v15  }
0x233: {  	s18 =	spop (v2sf);
	(v2sf) =	vpush v61, $0x0  }
0x234: {  	v1 =	vadd.f32 v56, v1;
	(v2sf) =	vpush v0, $0x0;
	v0 =	vld [tilespmem:s18+$0x10];
	_ =	sdelay $0x1  }
0x235: {  	v1 =	vadd.f32 v62, v1;
	_ =	sdelay $0x1  }
0x236: {  	v24 =	vadd.f32 v24, v25;
	[tilespmem:s13+$0x50] =	vst v1;
	v1 =	vld [tilespmem:s19+$0x40]  }
0x237: {  	[tilespmem:$0x1FB40] =	vst v0;
	v0 =	vld [tilespmem:s18+$0x30]  }
0x238: {  	v24 =	vadd.f32 v59, v24;
	v59 =	vld [tilespmem:$0x1FA60];
	_ =	sdelay $0x2  }
0x239: {  	v2 =	vadd.f32 v48, v2;
	[tilespmem:$0x1FAF0] =	vst v1;
	v1 =	vld [tilespmem:s19+$0x60]  }
0x23a: {  	[tilespmem:$0x1FB50] =	vst v0;
	v0 =	vld [tilespmem:s18+$0x40]  }
0x23b: {  	v60 =	vld [tilespmem:$0x1FA70];
	v2 =	vadd.f32 v59, v2  }
0x23c: {  	v30 =	vld [tilespmem:s18+$0x20]  }
0x23d: {  	[tilespmem:s13+$0x10] =	vst v2;
	v2 =	vld [tilespmem:s19+$0x0]  }
0x23e: {  	[tilespmem:$0x1FB10] =	vst v1;
	v1 =	vld [tilespmem:s19+$0x70]  }
0x23f: {  	s20 =	spop (v2sf);
	[tilespmem:$0x1FB60] =	vst v0;
	v0 =	vld [tilespmem:s18+$0x50]  }
0x240: {  	v39 =	vld [tilespmem:s20+$0x0]  }
0x241: {  	v40 =	vld [tilespmem:s20+$0x10]  }
0x242: {  	[tilespmem:$0x1FAB0] =	vst v2;
	v2 =	vld [tilespmem:s19+$0x10]  }
0x243: {  	[tilespmem:$0x1FB20] =	vst v1;
	v1 =	vld [tilespmem:s18+$0x0]  }
0x244: {  	v41 =	vld [tilespmem:s20+$0x20];
	[tilespmem:$0x1FB70] =	vst v0;
	v0 =	vperm.xlane v37, v15  }
0x245: {  	v43 =	vld [tilespmem:s20+$0x30]  }
0x246: {  	v42 =	vld [tilespmem:s20+$0x40];
	(v2sf) =	vpush v0, $0x0  }
0x247: {  	[tilespmem:$0x1FAC0] =	vst v2;
	v2 =	vld [tilespmem:s19+$0x20]  }
0x248: {  	[tilespmem:$0x1FB30] =	vst v1;
	v1 =	vld [tilespmem:s18+$0x60]  }
0x249: {  	v44 =	vld [tilespmem:s20+$0x50]  }
0x24a: {  	v46 =	vld [tilespmem:s20+$0x60]  }
0x24b: {  	v45 =	vld [tilespmem:s20+$0x70]  }
0x24c: {  	[tilespmem:$0x1FAD0] =	vst v2;
	v2 =	vld [tilespmem:s19+$0x30];
	v0 =	vperm.xlane v38, v15  }
0x24d: {  	[tilespmem:$0x1FB90] =	vst v1;
	v1 =	vld [tilespmem:s18+$0x70];
	s21 =	spop (v2sf)  }
0x24e: {  	v51 =	vld [tilespmem:s21+$0x0];
	(v2sf) =	vpush v0, $0x0  }
0x24f: {  	v52 =	vld [tilespmem:s21+$0x10]  }
0x250: {  	v53 =	vld [tilespmem:s21+$0x20]  }
0x251: {  	v54 =	vld [tilespmem:s21+$0x30]  }
0x252: {  	s22 =	sadd.s32 $0x1, s17;
	v55 =	vld [tilespmem:s21+$0x40]  }
0x253: {  	v50 =	vmov s22;
	v56 =	vld [tilespmem:s21+$0x50]  }
0x254: {  	v3 =	vadd.f32 v49, v3;
	v57 =	vld [tilespmem:s21+$0x60];
	v0 =	vperm.xlane v35, v50  }
0x255: {  	[tilespmem:s13+$0x0] =	vst v58;
	v58 =	vld [tilespmem:s21+$0x70];
	s20 =	spop (v2sf)  }
0x256: {  	v3 =	vadd.f32 v60, v3;
	(v2sf) =	vpush v0, $0x0;
	v60 =	vld [tilespmem:s20+$0x0]  }
0x257: {  	v61 =	vld [tilespmem:s20+$0x10]  }
0x258: {  	v62 =	vld [tilespmem:s20+$0x20]  }
0x259: {  	v63 =	vld [tilespmem:s20+$0x30]  }
0x25a: {  	[tilespmem:s13+$0x30] =	vst v4;
	v0 =	vld [tilespmem:s20+$0x40]  }
0x25b: {  	[tilespmem:$0x1FBA0] =	vst v1;
	v1 =	vld [tilespmem:s20+$0x50]  }
0x25c: {  	v4 =	vperm.xlane v36, v50;
	[tilespmem:$0x1FAE0] =	vst v2;
	v2 =	vld [tilespmem:s20+$0x60]  }
0x25d: {  	[tilespmem:s13+$0x20] =	vst v3;
	v3 =	vld [tilespmem:s20+$0x70];
	s21 =	spop (v2sf)  }
0x25e: {  	(v2sf) =	vpush v4, $0x0;
	v10 =	vld [tilespmem:s21+$0x0]  }
0x25f: {  	v14 =	vld [tilespmem:s21+$0x10]  }
0x260: {  	v11 =	vld [tilespmem:s21+$0x20]  }
0x261: {  	v13 =	vld [tilespmem:s21+$0x30]  }
0x262: {  	v12 =	vld [tilespmem:s21+$0x40]  }
0x263: {  	v16 =	vld [tilespmem:s21+$0x50]  }
0x264: {  	v17 =	vld [tilespmem:s21+$0x60]  }
0x265: {  	[tilespmem:s13+$0x70] =	vst v24;
	v18 =	vld [tilespmem:s21+$0x70];
	s22 =	spop (v2sf)  }
0x266: {  	v33 =	vld [tilespmem:s22+$0x0]  }
0x267: {  	v38 =	vld [tilespmem:s22+$0x10]  }
0x268: {  	v34 =	vld [tilespmem:s22+$0x20]  }
0x269: {  	v4 =	vperm.xlane v8, v50;
	v35 =	vld [tilespmem:s22+$0x30]  }
0x26a: {  	v36 =	vld [tilespmem:s22+$0x40]  }
0x26b: {  	p0 =	slt.u32 s17, $0xE;
	(v2sf) =	vpush v4, $0x0;
	v4 =	vperm.xlane v5, v50;
	v5 =	vld [tilespmem:s22+$0x60]  }
.Ltmp0:
0x26c: {  	v37 =	vld [tilespmem:s22+$0x50];
	(pc) =	sbr.rel @p0 .LBB2_3-.Ltmp0, $4  }
0x26d: {  	v59 =	vld [tilespmem:s22+$0x70];
	s19 =	spop (v2sf)  }
0x26e: {  	v47 =	vld [tilespmem:s19+$0x0]  }
0x26f: {  	v48 =	vld [tilespmem:s19+$0x10]  }
0x270: {  	s17 =	sadd.s32 $0x2, s17;
	(v2sf) =	vpush v4, $0x0;
	v49 =	vld [tilespmem:s19+$0x20];
	[tilespmem:$0x1FF30] =	vst v5  }
0x271: {  	v4 =	vld [tilespmem:$0x1FBD0]  }
0x272: {  	v28 =	vld [tilespmem:$0x1FB80]  }
0x273: {  	v8 =	vld [tilespmem:s19+$0x30]  }
0x274: {  	v21 =	vld [tilespmem:$0x1FBB0];
	_ =	sdelay $0x1  }
0x275: {  	v20 =	vld [tilespmem:$0x1FFA0]  }
0x276: {  	v4 =	vperm.xlane v4, v50  }
0x277: {  	[tilespmem:$0x1F9F0] =	vst v8  }
0x278: {  	v7 =	vperm.xlane v21, v15;
	v31 =	vld [tilespmem:s19+$0x40];
	(v2sf) =	vpush v4, $0x0;
	v4 =	vperm.xlane v28, v50  }
0x279: {  	v28 =	vld [tilespmem:$0x1FFD0]  }
0x27a: {  	v29 =	vmul.f32 v7, v20;
	(v2sf) =	vpush v4, $0x0;
	v4 =	vld [tilespmem:$0x1FF80]  }
0x27b: {  	v24 =	vld [tilespmem:$0x1FF90]  }
0x27c: {  	v8 =	vadd.f32 v11, v29  }
0x27d: {  	v25 =	vld [tilespmem:$0x1FFF0];
	[tilespmem:$0x1FA00] =	vst v31  }
0x27e: {  	v8 =	vadd.f32 v62, v8;
	v19 =	vld [tilespmem:s19+$0x50]  }
0x27f: {  	v62 =	vld [tilespmem:$0x1FAE0];
	v15 =	vmul.f32 v7, v28;
	v5 =	vmul.f32 v7, v4  }
0x280: {  	v6 =	vmul.f32 v7, v24;
	v8 =	vadd.f32 v53, v8;
	v53 =	vld [tilespmem:$0x1FB50]  }
0x281: {  	v27 =	vadd.f32 v16, v15;
	v9 =	vadd.f32 v10, v5;
	v5 =	vld [tilespmem:$0x1FFB0]  }
0x282: {  	v10 =	vadd.f32 v14, v6;
	v6 =	vld [tilespmem:$0x1FFC0]  }
0x283: {  	v1 =	vadd.f32 v1, v27;
	v27 =	vld [tilespmem:$0x1FB30];
	[tilespmem:$0x1FA10] =	vst v19  }
0x284: {  	s17 =	spop (v2sf);
	v15 =	vld [tilespmem:s19+$0x70]  }
0x285: {  	v21 =	vperm.xlane v21, v50;
	s18 =	spop (v2sf);
	v50 =	vld [tilespmem:s17+$0x10]  }
0x286: {  	v26 =	vld [tilespmem:s18+$0x70]  }
0x287: {  	v8 =	vadd.f32 v41, v8;
	v1 =	vadd.f32 v56, v1;
	v56 =	vld [tilespmem:$0x1FB90]  }
0x288: {  	v19 =	vmul.f32 v7, v25;
	v9 =	vadd.f32 v60, v9;
	v10 =	vadd.f32 v61, v10;
	v60 =	vld [tilespmem:$0x1FAC0]  }
0x289: {  	v8 =	vadd.f32 v30, v8;
	v30 =	vld [tilespmem:s18+$0x30]  }
0x28a: {  	v29 =	vadd.f32 v18, v19;
	v10 =	vadd.f32 v52, v10;
	v52 =	vld [tilespmem:s17+$0x70]  }
0x28b: {  	v1 =	vadd.f32 v44, v1;
	v44 =	vld [tilespmem:s17+$0x40]  }
0x28c: {  	v32 =	vmul.f32 v7, v5;
	v3 =	vadd.f32 v3, v29;
	v29 =	vld [tilespmem:$0x1FB40]  }
0x28d: {  	v10 =	vadd.f32 v40, v10;
	v40 =	vld [tilespmem:s17+$0x50]  }
0x28e: {  	s21 =	spop (v2sf);
	v13 =	vadd.f32 v13, v32;
	v32 =	vld [tilespmem:$0x1FFE0]  }
0x28f: {  	v22 =	vmul.f32 v7, v6;
	v31 =	vld [tilespmem:s21+$0x70]  }
0x290: {  	v19 =	vld [tilespmem:s21+$0x0]  }
0x291: {  	v11 =	vadd.f32 v12, v22;
	v12 =	vld [tilespmem:s21+$0x20]  }
0x292: {  	v9 =	vadd.f32 v51, v9;
	v16 =	vld [tilespmem:s21+$0x40]  }
0x293: {  	v51 =	vld [tilespmem:s21+$0x50]  }
0x294: {  	v9 =	vadd.f32 v39, v9;
	v22 =	vld [tilespmem:s21+$0x60]  }
0x295: {  	v3 =	vadd.f32 v58, v3;
	v58 =	vld [tilespmem:$0x1FAB0]  }
0x296: {  	v9 =	vadd.f32 v27, v9;
	v27 =	vld [tilespmem:s18+$0x20]  }
0x297: {  	s22 =	spop (v2sf);
	v0 =	vadd.f32 v0, v11;
	v11 =	vld [tilespmem:s21+$0x10]  }
0x298: {  	v61 =	vld [tilespmem:s22+$0x0]  }
0x299: {  	v3 =	vadd.f32 v45, v3;
	v45 =	vld [tilespmem:s22+$0x10]  }
0x29a: {  	v13 =	vadd.f32 v63, v13;
	v63 =	vmul.f32 v21, v4;
	v4 =	vld [tilespmem:s18+$0x40]  }
0x29b: {  	v10 =	vadd.f32 v29, v10;
	v29 =	vld [tilespmem:s18+$0x10]  }
0x29c: {  	v13 =	vadd.f32 v54, v13;
	v54 =	vld [tilespmem:$0x1FB60]  }
0x29d: {  	v25 =	vmul.f32 v21, v25;
	v0 =	vadd.f32 v55, v0;
	v55 =	vld [tilespmem:$0x1FB70]  }
0x29e: {  	v23 =	vmul.f32 v7, v32;
	v7 =	vld [tilespmem:s19+$0x60]  }
0x29f: {  	v18 =	vadd.f32 v31, v25;
	v25 =	vld [tilespmem:s17+$0x20]  }
0x2a0: {  	v9 =	vadd.f32 v58, v9;
	v31 =	vld [tilespmem:$0x1FAD0]  }
0x2a1: {  	v10 =	vadd.f32 v60, v10;
	v19 =	vadd.f32 v19, v63;
	v60 =	vmul.f32 v21, v6;
	v63 =	vld [tilespmem:s22+$0x60]  }
0x2a2: {  	v13 =	vadd.f32 v43, v13;
	v43 =	vld [tilespmem:$0x1FAF0];
	v14 =	vadd.f32 v17, v23  }
0x2a3: {  	v0 =	vadd.f32 v42, v0;
	v23 =	vld [tilespmem:s22+$0x70];
	v16 =	vadd.f32 v16, v60  }
0x2a4: {  	v6 =	vld [tilespmem:s18+$0x50];
	v13 =	vadd.f32 v53, v13;
	v2 =	vadd.f32 v2, v14  }
0x2a5: {  	v53 =	vld [tilespmem:s22+$0x20];
	v0 =	vadd.f32 v54, v0;
	v1 =	vadd.f32 v55, v1  }
0x2a6: {  	v55 =	vmul.f32 v21, v20;
	v8 =	vadd.f32 v31, v8;
	v2 =	vadd.f32 v57, v2;
	v57 =	vld [tilespmem:$0x1FBA0]  }
0x2a7: {  	v14 =	vld [tilespmem:s21+$0x30];
	v13 =	vadd.f32 v62, v13;
	v62 =	vmul.f32 v21, v28;
	v0 =	vadd.f32 v43, v0  }
0x2a8: {  	v54 =	vld [tilespmem:$0x1FB10];
	v12 =	vadd.f32 v12, v55;
	v18 =	vadd.f32 v23, v18  }
0x2a9: {  	v58 =	vmul.f32 v21, v5;
	v42 =	vld [tilespmem:s17+$0x60];
	v5 =	vadd.f32 v51, v62;
	v2 =	vadd.f32 v46, v2  }
0x2aa: {  	s13 =	sadd.s32 $0x100, s13;
	v46 =	vld [tilespmem:$0x1FB00];
	v12 =	vadd.f32 v53, v12;
	v18 =	vadd.f32 v26, v18  }
0x2ab: {  	v2 =	vadd.f32 v56, v2;
	v3 =	vadd.f32 v57, v3;
	v57 =	vld [tilespmem:$0x1FB20];
	[tilespmem:s13+$0xFFFFFF80] =	vst v9  }
0x2ac: {  	v17 =	vld [tilespmem:s17+$0x0];
	v12 =	vadd.f32 v27, v12;
	v18 =	vadd.f32 v52, v18;
	[tilespmem:s13+$0xFFFFFF90] =	vst v10  }
0x2ad: {  	v26 =	vld [tilespmem:s18+$0x0];
	v14 =	vadd.f32 v14, v58;
	v52 =	vmul.f32 v21, v24;
	[tilespmem:s13+$0xFFFFFFA0] =	vst v8;
	v2 =	vadd.f32 v54, v2  }
0x2ae: {  	v56 =	vld [tilespmem:s22+$0x30];
	[tilespmem:s13+$0xFFFFFFB0] =	vst v13;
	v53 =	vadd.f32 v25, v12;
	v15 =	vadd.f32 v15, v18  }
0x2af: {  	v23 =	vld [tilespmem:s17+$0x30];
	v21 =	vmul.f32 v21, v32;
	[tilespmem:s13+$0xFFFFFFC0] =	vst v0;
	v1 =	vadd.f32 v46, v1;
	v11 =	vadd.f32 v11, v52  }
0x2b0: {  	v32 =	vld [tilespmem:s18+$0x60];
	v18 =	vadd.f32 v61, v19;
	[tilespmem:s13+$0xFFFFFFE0] =	vst v2;
	v15 =	vadd.f32 v59, v15  }
0x2b1: {  	v61 =	vld [tilespmem:s22+$0x50];
	v21 =	vadd.f32 v22, v21;
	[tilespmem:s13+$0xFFFFFFD0] =	vst v1;
	v3 =	vadd.f32 v57, v3  }
0x2b2: {  	v59 =	vld [tilespmem:s22+$0x40];
	v11 =	vadd.f32 v45, v11;
	v18 =	vadd.f32 v26, v18;
	[tilespmem:s13+$0x70] =	vst v15  }
0x2b3: {  	v58 =	vadd.f32 v49, v53;
	v14 =	vadd.f32 v56, v14;
	[tilespmem:s13+$0xFFFFFFF0] =	vst v3  }
0x2b4: {  	v11 =	vadd.f32 v29, v11;
	v51 =	vadd.f32 v17, v18;
	v3 =	vld [tilespmem:$0x1F9F0]  }
0x2b5: {  	v21 =	vadd.f32 v63, v21;
	v14 =	vadd.f32 v30, v14  }
0x2b6: {  	v52 =	vadd.f32 v50, v11;
	v56 =	vadd.f32 v47, v51  }
0x2b7: {  	v54 =	vadd.f32 v23, v14;
	v16 =	vadd.f32 v59, v16  }
0x2b8: {  	v8 =	vadd.f32 v48, v52;
	v59 =	vadd.f32 v33, v56  }
0x2b9: {  	v2 =	vadd.f32 v34, v58;
	v3 =	vadd.f32 v3, v54  }
0x2ba: {  	v19 =	vadd.f32 v61, v5;
	v61 =	vld [tilespmem:$0x1FA00];
	v60 =	vadd.f32 v38, v8;
	[tilespmem:s13+$0x0] =	vst v59  }
0x2bb: {  	v43 =	vadd.f32 v4, v16;
	v62 =	vld [tilespmem:$0x1FA10];
	[tilespmem:s13+$0x20] =	vst v2;
	v3 =	vadd.f32 v35, v3  }
0x2bc: {  	v45 =	vadd.f32 v6, v19;
	[tilespmem:s13+$0x10] =	vst v60  }
0x2bd: {  	v46 =	vadd.f32 v32, v21;
	v9 =	vadd.f32 v44, v43;
	[tilespmem:s13+$0x30] =	vst v3  }
0x2be: {  	v55 =	vadd.f32 v40, v45;
	v2 =	vld [tilespmem:$0x1FF30]  }
0x2bf: {  	v57 =	vadd.f32 v42, v46;
	v5 =	vadd.f32 v61, v9  }
0x2c0: {  	s20 =	sshll.u32 s14, $0xB;
	s14 =	sadd.s32 $0x1, s14;
	v0 =	vadd.f32 v62, v55  }
0x2c1: {  	p0 =	sne.s32 s14, $0x20;
	v1 =	vadd.f32 v7, v57;
	v63 =	vadd.f32 v36, v5  }
.Ltmp1:
0x2c2: {  	v0 =	vadd.f32 v37, v0;
	(pc) =	sbr.rel @p0 .LBB2_2-.Ltmp1, $4  }
0x2c3: {  	s15 =	sadd.s32 s4, s15;
	[tilespmem:s13+$0x40] =	vst v63;
	v1 =	vadd.f32 v2, v1  }
0x2c4: {  	s15 =	sshll.u32 s15, $0x4;
	s17 =	sand.u32 $0x3FFFF800, s20;
	[tilespmem:s13+$0x50] =	vst v0  }
0x2c5: {  	s16 =	sadd.s32 $0x800, s16;
	s21 =	sadd.s32 s1, s15;
	s22 =	sadd.s32 $0x6000, s17;
	[tilespmem:s13+$0x60] =	vst v1  }
0x2c6: {  	[hbm4b:s21+s3] =	stream.linear.scatter [tilespmem:s22], [sflag:$0x2], $0x800, $0x38;
	[tilespmem:$0x17200] =	vst v63  }
0x2c7: {  	_ =	swait.ge [sflag:s5], $0x10000  }
0x2c8: {  	s12 =	sadd.s32 $0x1, s12;
	s13 =	rddreg [dreg:$0xc]  }
0x2c9: {  	p0 =	sne.s32 s12, s13  }
.Ltmp2:
0x2ca: {  	_ = 	snop;
	(pc) =	sbr.rel @p0 .LBB2_1-.Ltmp2, $3  }
0x2cb: {  	_ =	sdelay $0x1  }
0x2cc: {  	[sflag:s5] =	ssyncset.done $0x0  }
0x2cd: {  	[sflag:s5] =	ssyncadd.s32 $0xFFFF0000  }
0x2ce: {  	_ =	sfence.sel $0x180000  }
0x2cf: {  	[bflag:$0x0] =	sbarrier.arrive $0xFFFF  }
0x2d0: {  	_ =	strace $0x90000047  }
0x2d1: {  	s0 =	stileid.u32;
	[bflag:$0x2] =	sbarrier.arrive $0xFFFF  }
0x2d2: {  	p0 =	sne.s32 s0, $0x0;
	s0 =	rddreg [dreg:$0x9]  }
0x2d3: {  	s0 =	sadd.s32 @!p0 $0x100000, s0  }
0x2d4: {  	[sflag:s0] =	ssyncadd.tile.s32 @!p0 $0x1;
	_ =	shalt  }
.Lfunc_end2:
_tile_overlayer_lowered:
.L_overlay_start_2:
0x2d5: {  	(tag) =	ssettag $0x2  }
0x2d6: {  	s0 =	rddreg [dreg:$0x0];
	s2 =	stileid.u32  }
0x2d7: {  	s1 =	rddreg [dreg:$0x1];
	p0 =	sne.s32 s2, $0x0  }
0x2d8: {  	s3 =	rddreg [dreg:$0x2];
	[bflag:$0x3] =	sbarrier.arrive $0xFFFF;
	s2 =	simm.s32 @!p0 $0x1C03  }
0x2d9: {  	[timem:s3], [sflag:s2] =	dma.local @!p0 [hbm:s0], s1  }
0x2da: {  	s0 =	simm.s32 @!p0 $0x3  }
0x2db: {  	_ =	swait.ge @!p0 [sflag:s0], s1  }
0x2dc: {  	s1 =	ssub.s32 @!p0 $0x0, s1;
	[sflag:s0] =	ssyncset.done @!p0 $0x0  }
0x2dd: {  	[sflag:s0] =	ssyncadd.s32 @!p0 s1  }
0x2de: {  	[bflag:$0x3] =	sbarrier.arrive $0xFFFF  }
0x2df: {  	_ =	shalt  }

</sc_bundles>
